<compile_context>
chip_gen: v7x
topology: tpu7x:2x2x1
jax: 0.10.2.dev20260603
libtpu: 0.0.44.dev20260713+nightly
codegen_flags: <defaults>
</compile_context>

<pallas_src>
import functools

import jax
import jax.numpy as jnp
from jax import lax
from jax.experimental import pallas as pl
from jax.experimental.pallas import tpu as pltpu
from jax.experimental.pallas import tpu_sc as plsc

B = 4096
L = 200
D = 512
NCLS = 1000
VPAD = 1024

NW = 32
NHALF = 2
BH = B // NHALF
CH = BH // NW
KSH = 128 // CH


def _sc_histogram_half(xt, half):
    mesh = plsc.VectorSubcoreMesh(core_axis_name="c", subcore_axis_name="s")

    @functools.partial(
        pl.kernel,
        mesh=mesh,
        out_type=jax.ShapeDtypeStruct((BH, VPAD), jnp.float32),
        scratch_types=[
            pltpu.VMEM((L, 128), jnp.int32),
            pltpu.VMEM((CH, VPAD), jnp.float32),
            pltpu.SemaphoreType.DMA,
        ],
        compiler_params=pltpu.CompilerParams(needs_layout_passes=False),
    )
    def hist_kernel(xt_hbm, counts_hbm, idx_v, hist_v, sem):
        wid = lax.axis_index("c") * 16 + lax.axis_index("s")
        ones = jnp.ones((16,), jnp.float32)
        zeros = jnp.zeros((16,), jnp.float32)
        lane = lax.iota(jnp.int32, 16)

        aligned = half * BH + (wid // KSH) * 128
        off = (wid % KSH) * CH
        cp = pltpu.async_copy(xt_hbm.at[:, pl.ds(aligned, 128)], idx_v, sem)

        def zero_row(r, carry):
            for k in range(VPAD // 16):
                hist_v[r, pl.ds(k * 16, 16)] = zeros
            return carry

        lax.fori_loop(0, CH, zero_row, 0)
        cp.wait()

        wbs = []
        for g in range(CH // 16):
            rvec = lane + (g * 16)

            def do_tok(j, carry, rvec=rvec, g=g):
                for u in range(4):
                    ids = idx_v[j * 4 + u, pl.ds(off + g * 16, 16)]
                    plsc.addupdate_scatter(hist_v, [rvec, ids], ones)
                return carry

            lax.fori_loop(0, L // 4, do_tok, 0)
            wbs.append(pltpu.async_copy(
                hist_v.at[pl.ds(g * 16, 16)],
                counts_hbm.at[pl.ds(wid * CH + g * 16, 16)],
                sem,
            ))
        for wb in wbs:
            wb.wait()

    return hist_kernel(xt)


BB = 1024
GH = BH // BB


def _mlp_body(_, counts_ref, emb_ref, w1_ref, b1_ref, w2t_ref, b2_ref, outt_ref):
    c = counts_ref[...]
    denom = 200.0 - c[:, 0:1]
    cv = c[:, :NCLS]
    col = lax.broadcasted_iota(jnp.int32, (BB, NCLS), 1)
    cv = jnp.where(col == 0, 0.0, cv)
    s = jnp.dot(
        cv.astype(jnp.bfloat16),
        emb_ref[...].astype(jnp.bfloat16),
        preferred_element_type=jnp.float32,
    )
    pooled = s / denom
    h = jnp.dot(
        pooled.astype(jnp.bfloat16),
        w1_ref[...].astype(jnp.bfloat16),
        preferred_element_type=jnp.float32,
    ) + b1_ref[...]
    h = jnp.maximum(h, 0.0)
    outt_ref[...] = lax.dot_general(
        w2t_ref[...].astype(jnp.bfloat16),
        h.astype(jnp.bfloat16),
        (((1,), (1,)), ((), ())),
        preferred_element_type=jnp.float32,
    ) + b2_ref[...]


def _tc_mlp_half(prev_outt, counts_h, emb, W1, b1r, W2t, b2r, half):
    body = _mlp_body if prev_outt is not None else (
        lambda c, e, w1, bb1, w2t, bb2, o: _mlp_body(None, c, e, w1, bb1, w2t, bb2, o)
    )
    specs = [
        pl.BlockSpec((BB, VPAD), lambda i: (i, 0)),
        pl.BlockSpec((NCLS, D), lambda i: (0, 0)),
        pl.BlockSpec((D, D), lambda i: (0, 0)),
        pl.BlockSpec((1, D), lambda i: (0, 0)),
        pl.BlockSpec((NCLS, D), lambda i: (0, 0)),
        pl.BlockSpec((NCLS, 1), lambda i: (0, 0)),
    ]
    args = (counts_h, emb, W1, b1r, W2t, b2r)
    aliases = {}
    if prev_outt is not None:
        specs = [pl.BlockSpec(memory_space=pl.MemorySpace.ANY)] + specs
        args = (prev_outt,) + args
        aliases = {0: 0}
    return pl.pallas_call(
        body,
        grid=(GH,),
        in_specs=specs,
        out_specs=pl.BlockSpec((NCLS, BB), lambda i, h=half: (0, h * GH + i)),
        out_shape=jax.ShapeDtypeStruct((NCLS, B), jnp.float32),
        input_output_aliases=aliases,
    )(*args)


def kernel(x, emb, W1, b1, W2, b2):
    xt = jnp.swapaxes(x.astype(jnp.int32), 0, 1)
    W2t = jnp.swapaxes(W2, 0, 1)
    b1r = b1.reshape(1, D)
    b2r = b2.reshape(NCLS, 1)

    counts = [_sc_histogram_half(xt, h) for h in range(NHALF)]
    outt = _tc_mlp_half(None, counts[0], emb, W1, b1r, W2t, b2r, 0)
    for h in range(1, NHALF):
        outt = _tc_mlp_half(outt, counts[h], emb, W1, b1r, W2t, b2r, h)
    return outt.T

# --- scband reference (transcript-rebuilt; emitter-appended) ---
"""Pipeline reference for scband-swem-3066606649380 (READ-ONLY COPY).

The authoritative reference and input builder live on the scoring server;
editing this copy changes nothing except your own understanding.
"""

import jax, jax.numpy as jnp
import numpy as np

VOCAB = 1000
EMBED_DIM = 512
NUM_CLASSES = 1000
BATCH = 4096
SEQ = 200


def setup_inputs(seed: int = 0) -> dict:
    key = jax.random.key(seed)
    k_x, k_emb, k_w1, k_w2 = jax.random.split(key, 4)
    x = jax.random.randint(k_x, (BATCH, SEQ), 0, VOCAB, dtype=jnp.int64 if jax.config.jax_enable_x64 else jnp.int32)
    # hk.initializers.UniformScaling(0.001): uniform(-m, m) with m = 0.001*sqrt(3/fan_in)
    m = 0.001 * np.sqrt(3.0 / VOCAB)
    emb = jax.random.uniform(k_emb, (VOCAB, EMBED_DIM), minval=-m, maxval=m, dtype=jnp.float32)
    # hk.Linear default truncated-normal ~ stddev 1/sqrt(fan_in); plain normal is fine for a reference
    W1 = jax.random.normal(k_w1, (EMBED_DIM, 512), dtype=jnp.float32) / np.sqrt(EMBED_DIM)
    b1 = jnp.zeros((512,), dtype=jnp.float32)
    W2 = jax.random.normal(k_w2, (512, NUM_CLASSES), dtype=jnp.float32) / np.sqrt(512)
    b2 = jnp.zeros((NUM_CLASSES,), dtype=jnp.float32)
    return {"x": x, "emb": emb, "W1": W1, "b1": b1, "W2": W2, "b2": b2}


def reference(x, emb, W1, b1, W2, b2):
    # train=False path (dropout disabled for deterministic reference)
    mask = x > 0
    h = jnp.take(emb, x, axis=0)                       # [B, L, D] embedding gather
    h = h * mask[..., None].astype(h.dtype)            # zero out padding
    denom = mask.sum(axis=1).astype(h.dtype)[:, None]  # [B, 1]
    h = h.sum(axis=1) / denom                          # mean pool over valid tokens
    h = jax.nn.relu(jnp.dot(h, W1) + b1)
    out = jnp.dot(h, W2) + b2
    return out

if __name__ == "__main__":
    import jax
    _d = setup_inputs()
    print(jax.jit(kernel)(*tuple(_d.values())))

</pallas_src>

<mosaic_0001>
#map = affine_map<(d0, d1) -> (0, 0)>
module attributes {stable_mosaic.version = 14 : i64} {
  func.func @hist_kernel(%arg0: i32, %arg1: i32, %arg2: memref<200x4096xi32, #tpu.memory_space<hbm>>, %arg3: memref<2048x1024xf32, #tpu.memory_space<hbm>>, %arg4: memref<200x128xi32, #tpu.memory_space<vmem>>, %arg5: memref<64x1024xf32, #tpu.memory_space<vmem>>, %arg6: memref<!tpu.dma_semaphore, #tpu.memory_space<semaphore_mem>>) attributes {dimension_semantics = [#tpu.dimension_semantics<core_parallel>, #tpu.dimension_semantics<subcore_parallel>], iteration_bounds = array<i64: 2, 16>, scalar_prefetch = 0 : i64, scratch_operands = 3 : i64, tpu.core_type = #tpu.core_type<sc_vector_subcore>, window_params = [{transform_indices = #map}, {transform_indices = #map}]} {
    %mul3A = arith.constant 16 : i32
    %mul3A_0 = arith.muli %arg0, %mul3A : i32
    %add3A = arith.addi %mul3A_0, %arg1 : i32
    %broadcast_in_dim3A = arith.constant 1.000000e+00 : f32
    %broadcast_in_dim3A_1 = vector.broadcast %broadcast_in_dim3A : f32 to vector<16xf32>
    %broadcast_in_dim3A_2 = arith.constant 0.000000e+00 : f32
    %broadcast_in_dim3A_3 = vector.broadcast %broadcast_in_dim3A_2 : f32 to vector<16xf32>
    %iota3A = tpu.iota {dimensions = array<i32: 0>} : vector<16xi32>
    %jit3A = arith.constant 2 : i32
    %div3A = arith.divsi %add3A, %jit3A : i32
    %sign3A = arith.constant 0 : i32
    %sign3A_4 = arith.cmpi sgt, %add3A, %sign3A : i32
    %sign3A_5 = arith.extui %sign3A_4 : i1 to i32
    %sign3A_6 = arith.constant 0 : i32
    %sign3A_7 = arith.cmpi slt, %add3A, %sign3A_6 : i32
    %sign3A_8 = arith.extui %sign3A_7 : i1 to i32
    %sign3A_9 = arith.subi %sign3A_5, %sign3A_8 : i32
    %sign3A_10 = arith.constant 0 : i32
    %sign3A_11 = arith.cmpi sgt, %jit3A, %sign3A_10 : i32
    %sign3A_12 = arith.extui %sign3A_11 : i1 to i32
    %sign3A_13 = arith.constant 0 : i32
    %sign3A_14 = arith.cmpi slt, %jit3A, %sign3A_13 : i32
    %sign3A_15 = arith.extui %sign3A_14 : i1 to i32
    %sign3A_16 = arith.subi %sign3A_12, %sign3A_15 : i32
    %ne3A = arith.cmpi ne, %sign3A_9, %sign3A_16 : i32
    %rem3A = arith.remsi %add3A, %jit3A : i32
    %ne3A_17 = arith.constant 0 : i32
    %ne3A_18 = arith.cmpi ne, %rem3A, %ne3A_17 : i32
    %and3A = arith.andi %ne3A, %ne3A_18 : i1
    %sub3A = arith.constant 1 : i32
    %sub3A_19 = arith.subi %div3A, %sub3A : i32
    %select_n3A = arith.select %and3A, %sub3A_19, %div3A : i32
    %mul3A_20 = arith.constant 128 : i32
    %mul3A_21 = arith.muli %select_n3A, %mul3A_20 : i32
    %add3A_22 = arith.constant 2048 : i32
    %add3A_23 = arith.addi %add3A_22, %mul3A_21 : i32
    %jit3A_24 = arith.constant 2 : i32
    %eq3A = arith.constant 0 : i32
    %eq3A_25 = arith.cmpi eq, %jit3A_24, %eq3A : i32
    %jit3A_26 = arith.constant 1 : i32
    %select_n3A_27 = arith.select %eq3A_25, %jit3A_26, %jit3A_24 : i32
    %rem3A_28 = arith.remsi %add3A, %select_n3A_27 : i32
    %ne3A_29 = arith.constant 0 : i32
    %ne3A_30 = arith.cmpi ne, %rem3A_28, %ne3A_29 : i32
    %lt3A = arith.constant 0 : i32
    %lt3A_31 = arith.cmpi slt, %rem3A_28, %lt3A : i32
    %lt3A_32 = arith.constant 0 : i32
    %lt3A_33 = arith.cmpi slt, %select_n3A_27, %lt3A_32 : i32
    %ne3A_34 = arith.xori %lt3A_31, %lt3A_33 : i1
    %and3A_35 = arith.andi %ne3A_34, %ne3A_30 : i1
    %add3A_36 = arith.addi %rem3A_28, %select_n3A_27 : i32
    %select_n3A_37 = arith.select %and3A_35, %add3A_36, %rem3A_28 : i32
    %mul3A_38 = arith.constant 64 : i32
    %mul3A_39 = arith.muli %select_n3A_37, %mul3A_38 : i32
    %dma_start3A = arith.constant 0 : i32
    %dma_start3A_40 = tpu.memref_slice %arg2[%dma_start3A, %add3A_23] : memref<200x4096xi32, #tpu.memory_space<hbm>> -> memref<200x128xi32, #tpu.memory_space<hbm>>
    %dma_start3A_41 = arith.constant 0 : i32
    %dma_start3A_42 = tpu.memref_slice %arg2[%dma_start3A_41, %add3A_23] : memref<200x4096xi32, #tpu.memory_space<hbm>> -> memref<200x128xi32, #tpu.memory_space<hbm>>
    tpu.enqueue_dma source(%dma_start3A_42 : memref<200x128xi32, #tpu.memory_space<hbm>>) target(%arg4 : memref<200x128xi32, #tpu.memory_space<vmem>>) target_semaphore(%arg6 : memref<!tpu.dma_semaphore, #tpu.memory_space<semaphore_mem>>)
    %scan3A = arith.constant 0 : i32
    %scan3A_43 = arith.constant 0 : i32
    %scan3A_44 = arith.constant 64 : i32
    %scan3A_45 = arith.addi %scan3A_43, %scan3A_44 : i32
    %scan3A_46 = arith.constant 1 : i32
    scf.for %scan3A_183 = %scan3A_43 to %scan3A_45 step %scan3A_46  : i32 {
      %swap3A = arith.index_cast %scan3A_183 : i32 to index
      %swap3A_184 = arith.constant 0 : index
      %swap3A_185 = tpu.vector_load %arg5[%swap3A, %swap3A_184] {strides = array<i32>} : memref<64x1024xf32, #tpu.memory_space<vmem>>, vector<16xf32>,
      tpu.vector_store %arg5[%swap3A, %swap3A_184], %broadcast_in_dim3A_3 {strides = array<i32>} : memref<64x1024xf32, #tpu.memory_space<vmem>>, vector<16xf32>,
      %swap3A_186 = arith.index_cast %scan3A_183 : i32 to index
      %swap3A_187 = arith.constant 16 : index
      %swap3A_188 = tpu.vector_load %arg5[%swap3A_186, %swap3A_187] {strides = array<i32>} : memref<64x1024xf32, #tpu.memory_space<vmem>>, vector<16xf32>,
      tpu.vector_store %arg5[%swap3A_186, %swap3A_187], %broadcast_in_dim3A_3 {strides = array<i32>} : memref<64x1024xf32, #tpu.memory_space<vmem>>, vector<16xf32>,
      %swap3A_189 = arith.index_cast %scan3A_183 : i32 to index
      %swap3A_190 = arith.constant 32 : index
      %swap3A_191 = tpu.vector_load %arg5[%swap3A_189, %swap3A_190] {strides = array<i32>} : memref<64x1024xf32, #tpu.memory_space<vmem>>, vector<16xf32>,
      tpu.vector_store %arg5[%swap3A_189, %swap3A_190], %broadcast_in_dim3A_3 {strides = array<i32>} : memref<64x1024xf32, #tpu.memory_space<vmem>>, vector<16xf32>,
      %swap3A_192 = arith.index_cast %scan3A_183 : i32 to index
      %swap3A_193 = arith.constant 48 : index
      %swap3A_194 = tpu.vector_load %arg5[%swap3A_192, %swap3A_193] {strides = array<i32>} : memref<64x1024xf32, #tpu.memory_space<vmem>>, vector<16xf32>,
      tpu.vector_store %arg5[%swap3A_192, %swap3A_193], %broadcast_in_dim3A_3 {strides = array<i32>} : memref<64x1024xf32, #tpu.memory_space<vmem>>, vector<16xf32>,
      %swap3A_195 = arith.index_cast %scan3A_183 : i32 to index
      %swap3A_196 = arith.constant 64 : index
      %swap3A_197 = tpu.vector_load %arg5[%swap3A_195, %swap3A_196] {strides = array<i32>} : memref<64x1024xf32, #tpu.memory_space<vmem>>, vector<16xf32>,
      tpu.vector_store %arg5[%swap3A_195, %swap3A_196], %broadcast_in_dim3A_3 {strides = array<i32>} : memref<64x1024xf32, #tpu.memory_space<vmem>>, vector<16xf32>,
      %swap3A_198 = arith.index_cast %scan3A_183 : i32 to index
      %swap3A_199 = arith.constant 80 : index
      %swap3A_200 = tpu.vector_load %arg5[%swap3A_198, %swap3A_199] {strides = array<i32>} : memref<64x1024xf32, #tpu.memory_space<vmem>>, vector<16xf32>,
      tpu.vector_store %arg5[%swap3A_198, %swap3A_199], %broadcast_in_dim3A_3 {strides = array<i32>} : memref<64x1024xf32, #tpu.memory_space<vmem>>, vector<16xf32>,
      %swap3A_201 = arith.index_cast %scan3A_183 : i32 to index
      %swap3A_202 = arith.constant 96 : index
      %swap3A_203 = tpu.vector_load %arg5[%swap3A_201, %swap3A_202] {strides = array<i32>} : memref<64x1024xf32, #tpu.memory_space<vmem>>, vector<16xf32>,
      tpu.vector_store %arg5[%swap3A_201, %swap3A_202], %broadcast_in_dim3A_3 {strides = array<i32>} : memref<64x1024xf32, #tpu.memory_space<vmem>>, vector<16xf32>,
      %swap3A_204 = arith.index_cast %scan3A_183 : i32 to index
      %swap3A_205 = arith.constant 112 : index
      %swap3A_206 = tpu.vector_load %arg5[%swap3A_204, %swap3A_205] {strides = array<i32>} : memref<64x1024xf32, #tpu.memory_space<vmem>>, vector<16xf32>,
      tpu.vector_store %arg5[%swap3A_204, %swap3A_205], %broadcast_in_dim3A_3 {strides = array<i32>} : memref<64x1024xf32, #tpu.memory_space<vmem>>, vector<16xf32>,
      %swap3A_207 = arith.index_cast %scan3A_183 : i32 to index
      %swap3A_208 = arith.constant 128 : index
      %swap3A_209 = tpu.vector_load %arg5[%swap3A_207, %swap3A_208] {strides = array<i32>} : memref<64x1024xf32, #tpu.memory_space<vmem>>, vector<16xf32>,
      tpu.vector_store %arg5[%swap3A_207, %swap3A_208], %broadcast_in_dim3A_3 {strides = array<i32>} : memref<64x1024xf32, #tpu.memory_space<vmem>>, vector<16xf32>,
      %swap3A_210 = arith.index_cast %scan3A_183 : i32 to index
      %swap3A_211 = arith.constant 144 : index
      %swap3A_212 = tpu.vector_load %arg5[%swap3A_210, %swap3A_211] {strides = array<i32>} : memref<64x1024xf32, #tpu.memory_space<vmem>>, vector<16xf32>,
      tpu.vector_store %arg5[%swap3A_210, %swap3A_211], %broadcast_in_dim3A_3 {strides = array<i32>} : memref<64x1024xf32, #tpu.memory_space<vmem>>, vector<16xf32>,
      %swap3A_213 = arith.index_cast %scan3A_183 : i32 to index
      %swap3A_214 = arith.constant 160 : index
      %swap3A_215 = tpu.vector_load %arg5[%swap3A_213, %swap3A_214] {strides = array<i32>} : memref<64x1024xf32, #tpu.memory_space<vmem>>, vector<16xf32>,
      tpu.vector_store %arg5[%swap3A_213, %swap3A_214], %broadcast_in_dim3A_3 {strides = array<i32>} : memref<64x1024xf32, #tpu.memory_space<vmem>>, vector<16xf32>,
      %swap3A_216 = arith.index_cast %scan3A_183 : i32 to index
      %swap3A_217 = arith.constant 176 : index
      %swap3A_218 = tpu.vector_load %arg5[%swap3A_216, %swap3A_217] {strides = array<i32>} : memref<64x1024xf32, #tpu.memory_space<vmem>>, vector<16xf32>,
      tpu.vector_store %arg5[%swap3A_216, %swap3A_217], %broadcast_in_dim3A_3 {strides = array<i32>} : memref<64x1024xf32, #tpu.memory_space<vmem>>, vector<16xf32>,
      %swap3A_219 = arith.index_cast %scan3A_183 : i32 to index
      %swap3A_220 = arith.constant 192 : index
      %swap3A_221 = tpu.vector_load %arg5[%swap3A_219, %swap3A_220] {strides = array<i32>} : memref<64x1024xf32, #tpu.memory_space<vmem>>, vector<16xf32>,
      tpu.vector_store %arg5[%swap3A_219, %swap3A_220], %broadcast_in_dim3A_3 {strides = array<i32>} : memref<64x1024xf32, #tpu.memory_space<vmem>>, vector<16xf32>,
      %swap3A_222 = arith.index_cast %scan3A_183 : i32 to index
      %swap3A_223 = arith.constant 208 : index
      %swap3A_224 = tpu.vector_load %arg5[%swap3A_222, %swap3A_223] {strides = array<i32>} : memref<64x1024xf32, #tpu.memory_space<vmem>>, vector<16xf32>,
      tpu.vector_store %arg5[%swap3A_222, %swap3A_223], %broadcast_in_dim3A_3 {strides = array<i32>} : memref<64x1024xf32, #tpu.memory_space<vmem>>, vector<16xf32>,
      %swap3A_225 = arith.index_cast %scan3A_183 : i32 to index
      %swap3A_226 = arith.constant 224 : index
      %swap3A_227 = tpu.vector_load %arg5[%swap3A_225, %swap3A_226] {strides = array<i32>} : memref<64x1024xf32, #tpu.memory_space<vmem>>, vector<16xf32>,
      tpu.vector_store %arg5[%swap3A_225, %swap3A_226], %broadcast_in_dim3A_3 {strides = array<i32>} : memref<64x1024xf32, #tpu.memory_space<vmem>>, vector<16xf32>,
      %swap3A_228 = arith.index_cast %scan3A_183 : i32 to index
      %swap3A_229 = arith.constant 240 : index
      %swap3A_230 = tpu.vector_load %arg5[%swap3A_228, %swap3A_229] {strides = array<i32>} : memref<64x1024xf32, #tpu.memory_space<vmem>>, vector<16xf32>,
      tpu.vector_store %arg5[%swap3A_228, %swap3A_229], %broadcast_in_dim3A_3 {strides = array<i32>} : memref<64x1024xf32, #tpu.memory_space<vmem>>, vector<16xf32>,
      %swap3A_231 = arith.index_cast %scan3A_183 : i32 to index
      %swap3A_232 = arith.constant 256 : index
      %swap3A_233 = tpu.vector_load %arg5[%swap3A_231, %swap3A_232] {strides = array<i32>} : memref<64x1024xf32, #tpu.memory_space<vmem>>, vector<16xf32>,
      tpu.vector_store %arg5[%swap3A_231, %swap3A_232], %broadcast_in_dim3A_3 {strides = array<i32>} : memref<64x1024xf32, #tpu.memory_space<vmem>>, vector<16xf32>,
      %swap3A_234 = arith.index_cast %scan3A_183 : i32 to index
      %swap3A_235 = arith.constant 272 : index
      %swap3A_236 = tpu.vector_load %arg5[%swap3A_234, %swap3A_235] {strides = array<i32>} : memref<64x1024xf32, #tpu.memory_space<vmem>>, vector<16xf32>,
      tpu.vector_store %arg5[%swap3A_234, %swap3A_235], %broadcast_in_dim3A_3 {strides = array<i32>} : memref<64x1024xf32, #tpu.memory_space<vmem>>, vector<16xf32>,
      %swap3A_237 = arith.index_cast %scan3A_183 : i32 to index
      %swap3A_238 = arith.constant 288 : index
      %swap3A_239 = tpu.vector_load %arg5[%swap3A_237, %swap3A_238] {strides = array<i32>} : memref<64x1024xf32, #tpu.memory_space<vmem>>, vector<16xf32>,
      tpu.vector_store %arg5[%swap3A_237, %swap3A_238], %broadcast_in_dim3A_3 {strides = array<i32>} : memref<64x1024xf32, #tpu.memory_space<vmem>>, vector<16xf32>,
      %swap3A_240 = arith.index_cast %scan3A_183 : i32 to index
      %swap3A_241 = arith.constant 304 : index
      %swap3A_242 = tpu.vector_load %arg5[%swap3A_240, %swap3A_241] {strides = array<i32>} : memref<64x1024xf32, #tpu.memory_space<vmem>>, vector<16xf32>,
      tpu.vector_store %arg5[%swap3A_240, %swap3A_241], %broadcast_in_dim3A_3 {strides = array<i32>} : memref<64x1024xf32, #tpu.memory_space<vmem>>, vector<16xf32>,
      %swap3A_243 = arith.index_cast %scan3A_183 : i32 to index
      %swap3A_244 = arith.constant 320 : index
      %swap3A_245 = tpu.vector_load %arg5[%swap3A_243, %swap3A_244] {strides = array<i32>} : memref<64x1024xf32, #tpu.memory_space<vmem>>, vector<16xf32>,
      tpu.vector_store %arg5[%swap3A_243, %swap3A_244], %broadcast_in_dim3A_3 {strides = array<i32>} : memref<64x1024xf32, #tpu.memory_space<vmem>>, vector<16xf32>,
      %swap3A_246 = arith.index_cast %scan3A_183 : i32 to index
      %swap3A_247 = arith.constant 336 : index
      %swap3A_248 = tpu.vector_load %arg5[%swap3A_246, %swap3A_247] {strides = array<i32>} : memref<64x1024xf32, #tpu.memory_space<vmem>>, vector<16xf32>,
      tpu.vector_store %arg5[%swap3A_246, %swap3A_247], %broadcast_in_dim3A_3 {strides = array<i32>} : memref<64x1024xf32, #tpu.memory_space<vmem>>, vector<16xf32>,
      %swap3A_249 = arith.index_cast %scan3A_183 : i32 to index
      %swap3A_250 = arith.constant 352 : index
      %swap3A_251 = tpu.vector_load %arg5[%swap3A_249, %swap3A_250] {strides = array<i32>} : memref<64x1024xf32, #tpu.memory_space<vmem>>, vector<16xf32>,
      tpu.vector_store %arg5[%swap3A_249, %swap3A_250], %broadcast_in_dim3A_3 {strides = array<i32>} : memref<64x1024xf32, #tpu.memory_space<vmem>>, vector<16xf32>,
      %swap3A_252 = arith.index_cast %scan3A_183 : i32 to index
      %swap3A_253 = arith.constant 368 : index
      %swap3A_254 = tpu.vector_load %arg5[%swap3A_252, %swap3A_253] {strides = array<i32>} : memref<64x1024xf32, #tpu.memory_space<vmem>>, vector<16xf32>,
      tpu.vector_store %arg5[%swap3A_252, %swap3A_253], %broadcast_in_dim3A_3 {strides = array<i32>} : memref<64x1024xf32, #tpu.memory_space<vmem>>, vector<16xf32>,
      %swap3A_255 = arith.index_cast %scan3A_183 : i32 to index
      %swap3A_256 = arith.constant 384 : index
      %swap3A_257 = tpu.vector_load %arg5[%swap3A_255, %swap3A_256] {strides = array<i32>} : memref<64x1024xf32, #tpu.memory_space<vmem>>, vector<16xf32>,
      tpu.vector_store %arg5[%swap3A_255, %swap3A_256], %broadcast_in_dim3A_3 {strides = array<i32>} : memref<64x1024xf32, #tpu.memory_space<vmem>>, vector<16xf32>,
      %swap3A_258 = arith.index_cast %scan3A_183 : i32 to index
      %swap3A_259 = arith.constant 400 : index
      %swap3A_260 = tpu.vector_load %arg5[%swap3A_258, %swap3A_259] {strides = array<i32>} : memref<64x1024xf32, #tpu.memory_space<vmem>>, vector<16xf32>,
      tpu.vector_store %arg5[%swap3A_258, %swap3A_259], %broadcast_in_dim3A_3 {strides = array<i32>} : memref<64x1024xf32, #tpu.memory_space<vmem>>, vector<16xf32>,
      %swap3A_261 = arith.index_cast %scan3A_183 : i32 to index
      %swap3A_262 = arith.constant 416 : index
      %swap3A_263 = tpu.vector_load %arg5[%swap3A_261, %swap3A_262] {strides = array<i32>} : memref<64x1024xf32, #tpu.memory_space<vmem>>, vector<16xf32>,
      tpu.vector_store %arg5[%swap3A_261, %swap3A_262], %broadcast_in_dim3A_3 {strides = array<i32>} : memref<64x1024xf32, #tpu.memory_space<vmem>>, vector<16xf32>,
      %swap3A_264 = arith.index_cast %scan3A_183 : i32 to index
      %swap3A_265 = arith.constant 432 : index
      %swap3A_266 = tpu.vector_load %arg5[%swap3A_264, %swap3A_265] {strides = array<i32>} : memref<64x1024xf32, #tpu.memory_space<vmem>>, vector<16xf32>,
      tpu.vector_store %arg5[%swap3A_264, %swap3A_265], %broadcast_in_dim3A_3 {strides = array<i32>} : memref<64x1024xf32, #tpu.memory_space<vmem>>, vector<16xf32>,
      %swap3A_267 = arith.index_cast %scan3A_183 : i32 to index
      %swap3A_268 = arith.constant 448 : index
      %swap3A_269 = tpu.vector_load %arg5[%swap3A_267, %swap3A_268] {strides = array<i32>} : memref<64x1024xf32, #tpu.memory_space<vmem>>, vector<16xf32>,
      tpu.vector_store %arg5[%swap3A_267, %swap3A_268], %broadcast_in_dim3A_3 {strides = array<i32>} : memref<64x1024xf32, #tpu.memory_space<vmem>>, vector<16xf32>,
      %swap3A_270 = arith.index_cast %scan3A_183 : i32 to index
      %swap3A_271 = arith.constant 464 : index
      %swap3A_272 = tpu.vector_load %arg5[%swap3A_270, %swap3A_271] {strides = array<i32>} : memref<64x1024xf32, #tpu.memory_space<vmem>>, vector<16xf32>,
      tpu.vector_store %arg5[%swap3A_270, %swap3A_271], %broadcast_in_dim3A_3 {strides = array<i32>} : memref<64x1024xf32, #tpu.memory_space<vmem>>, vector<16xf32>,
      %swap3A_273 = arith.index_cast %scan3A_183 : i32 to index
      %swap3A_274 = arith.constant 480 : index
      %swap3A_275 = tpu.vector_load %arg5[%swap3A_273, %swap3A_274] {strides = array<i32>} : memref<64x1024xf32, #tpu.memory_space<vmem>>, vector<16xf32>,
      tpu.vector_store %arg5[%swap3A_273, %swap3A_274], %broadcast_in_dim3A_3 {strides = array<i32>} : memref<64x1024xf32, #tpu.memory_space<vmem>>, vector<16xf32>,
      %swap3A_276 = arith.index_cast %scan3A_183 : i32 to index
      %swap3A_277 = arith.constant 496 : index
      %swap3A_278 = tpu.vector_load %arg5[%swap3A_276, %swap3A_277] {strides = array<i32>} : memref<64x1024xf32, #tpu.memory_space<vmem>>, vector<16xf32>,
      tpu.vector_store %arg5[%swap3A_276, %swap3A_277], %broadcast_in_dim3A_3 {strides = array<i32>} : memref<64x1024xf32, #tpu.memory_space<vmem>>, vector<16xf32>,
      %swap3A_279 = arith.index_cast %scan3A_183 : i32 to index
      %swap3A_280 = arith.constant 512 : index
      %swap3A_281 = tpu.vector_load %arg5[%swap3A_279, %swap3A_280] {strides = array<i32>} : memref<64x1024xf32, #tpu.memory_space<vmem>>, vector<16xf32>,
      tpu.vector_store %arg5[%swap3A_279, %swap3A_280], %broadcast_in_dim3A_3 {strides = array<i32>} : memref<64x1024xf32, #tpu.memory_space<vmem>>, vector<16xf32>,
      %swap3A_282 = arith.index_cast %scan3A_183 : i32 to index
      %swap3A_283 = arith.constant 528 : index
      %swap3A_284 = tpu.vector_load %arg5[%swap3A_282, %swap3A_283] {strides = array<i32>} : memref<64x1024xf32, #tpu.memory_space<vmem>>, vector<16xf32>,
      tpu.vector_store %arg5[%swap3A_282, %swap3A_283], %broadcast_in_dim3A_3 {strides = array<i32>} : memref<64x1024xf32, #tpu.memory_space<vmem>>, vector<16xf32>,
      %swap3A_285 = arith.index_cast %scan3A_183 : i32 to index
      %swap3A_286 = arith.constant 544 : index
      %swap3A_287 = tpu.vector_load %arg5[%swap3A_285, %swap3A_286] {strides = array<i32>} : memref<64x1024xf32, #tpu.memory_space<vmem>>, vector<16xf32>,
      tpu.vector_store %arg5[%swap3A_285, %swap3A_286], %broadcast_in_dim3A_3 {strides = array<i32>} : memref<64x1024xf32, #tpu.memory_space<vmem>>, vector<16xf32>,
      %swap3A_288 = arith.index_cast %scan3A_183 : i32 to index
      %swap3A_289 = arith.constant 560 : index
      %swap3A_290 = tpu.vector_load %arg5[%swap3A_288, %swap3A_289] {strides = array<i32>} : memref<64x1024xf32, #tpu.memory_space<vmem>>, vector<16xf32>,
      tpu.vector_store %arg5[%swap3A_288, %swap3A_289], %broadcast_in_dim3A_3 {strides = array<i32>} : memref<64x1024xf32, #tpu.memory_space<vmem>>, vector<16xf32>,
      %swap3A_291 = arith.index_cast %scan3A_183 : i32 to index
      %swap3A_292 = arith.constant 576 : index
      %swap3A_293 = tpu.vector_load %arg5[%swap3A_291, %swap3A_292] {strides = array<i32>} : memref<64x1024xf32, #tpu.memory_space<vmem>>, vector<16xf32>,
      tpu.vector_store %arg5[%swap3A_291, %swap3A_292], %broadcast_in_dim3A_3 {strides = array<i32>} : memref<64x1024xf32, #tpu.memory_space<vmem>>, vector<16xf32>,
      %swap3A_294 = arith.index_cast %scan3A_183 : i32 to index
      %swap3A_295 = arith.constant 592 : index
      %swap3A_296 = tpu.vector_load %arg5[%swap3A_294, %swap3A_295] {strides = array<i32>} : memref<64x1024xf32, #tpu.memory_space<vmem>>, vector<16xf32>,
      tpu.vector_store %arg5[%swap3A_294, %swap3A_295], %broadcast_in_dim3A_3 {strides = array<i32>} : memref<64x1024xf32, #tpu.memory_space<vmem>>, vector<16xf32>,
      %swap3A_297 = arith.index_cast %scan3A_183 : i32 to index
      %swap3A_298 = arith.constant 608 : index
      %swap3A_299 = tpu.vector_load %arg5[%swap3A_297, %swap3A_298] {strides = array<i32>} : memref<64x1024xf32, #tpu.memory_space<vmem>>, vector<16xf32>,
      tpu.vector_store %arg5[%swap3A_297, %swap3A_298], %broadcast_in_dim3A_3 {strides = array<i32>} : memref<64x1024xf32, #tpu.memory_space<vmem>>, vector<16xf32>,
      %swap3A_300 = arith.index_cast %scan3A_183 : i32 to index
      %swap3A_301 = arith.constant 624 : index
      %swap3A_302 = tpu.vector_load %arg5[%swap3A_300, %swap3A_301] {strides = array<i32>} : memref<64x1024xf32, #tpu.memory_space<vmem>>, vector<16xf32>,
      tpu.vector_store %arg5[%swap3A_300, %swap3A_301], %broadcast_in_dim3A_3 {strides = array<i32>} : memref<64x1024xf32, #tpu.memory_space<vmem>>, vector<16xf32>,
      %swap3A_303 = arith.index_cast %scan3A_183 : i32 to index
      %swap3A_304 = arith.constant 640 : index
      %swap3A_305 = tpu.vector_load %arg5[%swap3A_303, %swap3A_304] {strides = array<i32>} : memref<64x1024xf32, #tpu.memory_space<vmem>>, vector<16xf32>,
      tpu.vector_store %arg5[%swap3A_303, %swap3A_304], %broadcast_in_dim3A_3 {strides = array<i32>} : memref<64x1024xf32, #tpu.memory_space<vmem>>, vector<16xf32>,
      %swap3A_306 = arith.index_cast %scan3A_183 : i32 to index
      %swap3A_307 = arith.constant 656 : index
      %swap3A_308 = tpu.vector_load %arg5[%swap3A_306, %swap3A_307] {strides = array<i32>} : memref<64x1024xf32, #tpu.memory_space<vmem>>, vector<16xf32>,
      tpu.vector_store %arg5[%swap3A_306, %swap3A_307], %broadcast_in_dim3A_3 {strides = array<i32>} : memref<64x1024xf32, #tpu.memory_space<vmem>>, vector<16xf32>,
      %swap3A_309 = arith.index_cast %scan3A_183 : i32 to index
      %swap3A_310 = arith.constant 672 : index
      %swap3A_311 = tpu.vector_load %arg5[%swap3A_309, %swap3A_310] {strides = array<i32>} : memref<64x1024xf32, #tpu.memory_space<vmem>>, vector<16xf32>,
      tpu.vector_store %arg5[%swap3A_309, %swap3A_310], %broadcast_in_dim3A_3 {strides = array<i32>} : memref<64x1024xf32, #tpu.memory_space<vmem>>, vector<16xf32>,
      %swap3A_312 = arith.index_cast %scan3A_183 : i32 to index
      %swap3A_313 = arith.constant 688 : index
      %swap3A_314 = tpu.vector_load %arg5[%swap3A_312, %swap3A_313] {strides = array<i32>} : memref<64x1024xf32, #tpu.memory_space<vmem>>, vector<16xf32>,
      tpu.vector_store %arg5[%swap3A_312, %swap3A_313], %broadcast_in_dim3A_3 {strides = array<i32>} : memref<64x1024xf32, #tpu.memory_space<vmem>>, vector<16xf32>,
      %swap3A_315 = arith.index_cast %scan3A_183 : i32 to index
      %swap3A_316 = arith.constant 704 : index
      %swap3A_317 = tpu.vector_load %arg5[%swap3A_315, %swap3A_316] {strides = array<i32>} : memref<64x1024xf32, #tpu.memory_space<vmem>>, vector<16xf32>,
      tpu.vector_store %arg5[%swap3A_315, %swap3A_316], %broadcast_in_dim3A_3 {strides = array<i32>} : memref<64x1024xf32, #tpu.memory_space<vmem>>, vector<16xf32>,
      %swap3A_318 = arith.index_cast %scan3A_183 : i32 to index
      %swap3A_319 = arith.constant 720 : index
      %swap3A_320 = tpu.vector_load %arg5[%swap3A_318, %swap3A_319] {strides = array<i32>} : memref<64x1024xf32, #tpu.memory_space<vmem>>, vector<16xf32>,
      tpu.vector_store %arg5[%swap3A_318, %swap3A_319], %broadcast_in_dim3A_3 {strides = array<i32>} : memref<64x1024xf32, #tpu.memory_space<vmem>>, vector<16xf32>,
      %swap3A_321 = arith.index_cast %scan3A_183 : i32 to index
      %swap3A_322 = arith.constant 736 : index
      %swap3A_323 = tpu.vector_load %arg5[%swap3A_321, %swap3A_322] {strides = array<i32>} : memref<64x1024xf32, #tpu.memory_space<vmem>>, vector<16xf32>,
      tpu.vector_store %arg5[%swap3A_321, %swap3A_322], %broadcast_in_dim3A_3 {strides = array<i32>} : memref<64x1024xf32, #tpu.memory_space<vmem>>, vector<16xf32>,
      %swap3A_324 = arith.index_cast %scan3A_183 : i32 to index
      %swap3A_325 = arith.constant 752 : index
      %swap3A_326 = tpu.vector_load %arg5[%swap3A_324, %swap3A_325] {strides = array<i32>} : memref<64x1024xf32, #tpu.memory_space<vmem>>, vector<16xf32>,
      tpu.vector_store %arg5[%swap3A_324, %swap3A_325], %broadcast_in_dim3A_3 {strides = array<i32>} : memref<64x1024xf32, #tpu.memory_space<vmem>>, vector<16xf32>,
      %swap3A_327 = arith.index_cast %scan3A_183 : i32 to index
      %swap3A_328 = arith.constant 768 : index
      %swap3A_329 = tpu.vector_load %arg5[%swap3A_327, %swap3A_328] {strides = array<i32>} : memref<64x1024xf32, #tpu.memory_space<vmem>>, vector<16xf32>,
      tpu.vector_store %arg5[%swap3A_327, %swap3A_328], %broadcast_in_dim3A_3 {strides = array<i32>} : memref<64x1024xf32, #tpu.memory_space<vmem>>, vector<16xf32>,
      %swap3A_330 = arith.index_cast %scan3A_183 : i32 to index
      %swap3A_331 = arith.constant 784 : index
      %swap3A_332 = tpu.vector_load %arg5[%swap3A_330, %swap3A_331] {strides = array<i32>} : memref<64x1024xf32, #tpu.memory_space<vmem>>, vector<16xf32>,
      tpu.vector_store %arg5[%swap3A_330, %swap3A_331], %broadcast_in_dim3A_3 {strides = array<i32>} : memref<64x1024xf32, #tpu.memory_space<vmem>>, vector<16xf32>,
      %swap3A_333 = arith.index_cast %scan3A_183 : i32 to index
      %swap3A_334 = arith.constant 800 : index
      %swap3A_335 = tpu.vector_load %arg5[%swap3A_333, %swap3A_334] {strides = array<i32>} : memref<64x1024xf32, #tpu.memory_space<vmem>>, vector<16xf32>,
      tpu.vector_store %arg5[%swap3A_333, %swap3A_334], %broadcast_in_dim3A_3 {strides = array<i32>} : memref<64x1024xf32, #tpu.memory_space<vmem>>, vector<16xf32>,
      %swap3A_336 = arith.index_cast %scan3A_183 : i32 to index
      %swap3A_337 = arith.constant 816 : index
      %swap3A_338 = tpu.vector_load %arg5[%swap3A_336, %swap3A_337] {strides = array<i32>} : memref<64x1024xf32, #tpu.memory_space<vmem>>, vector<16xf32>,
      tpu.vector_store %arg5[%swap3A_336, %swap3A_337], %broadcast_in_dim3A_3 {strides = array<i32>} : memref<64x1024xf32, #tpu.memory_space<vmem>>, vector<16xf32>,
      %swap3A_339 = arith.index_cast %scan3A_183 : i32 to index
      %swap3A_340 = arith.constant 832 : index
      %swap3A_341 = tpu.vector_load %arg5[%swap3A_339, %swap3A_340] {strides = array<i32>} : memref<64x1024xf32, #tpu.memory_space<vmem>>, vector<16xf32>,
      tpu.vector_store %arg5[%swap3A_339, %swap3A_340], %broadcast_in_dim3A_3 {strides = array<i32>} : memref<64x1024xf32, #tpu.memory_space<vmem>>, vector<16xf32>,
      %swap3A_342 = arith.index_cast %scan3A_183 : i32 to index
      %swap3A_343 = arith.constant 848 : index
      %swap3A_344 = tpu.vector_load %arg5[%swap3A_342, %swap3A_343] {strides = array<i32>} : memref<64x1024xf32, #tpu.memory_space<vmem>>, vector<16xf32>,
      tpu.vector_store %arg5[%swap3A_342, %swap3A_343], %broadcast_in_dim3A_3 {strides = array<i32>} : memref<64x1024xf32, #tpu.memory_space<vmem>>, vector<16xf32>,
      %swap3A_345 = arith.index_cast %scan3A_183 : i32 to index
      %swap3A_346 = arith.constant 864 : index
      %swap3A_347 = tpu.vector_load %arg5[%swap3A_345, %swap3A_346] {strides = array<i32>} : memref<64x1024xf32, #tpu.memory_space<vmem>>, vector<16xf32>,
      tpu.vector_store %arg5[%swap3A_345, %swap3A_346], %broadcast_in_dim3A_3 {strides = array<i32>} : memref<64x1024xf32, #tpu.memory_space<vmem>>, vector<16xf32>,
      %swap3A_348 = arith.index_cast %scan3A_183 : i32 to index
      %swap3A_349 = arith.constant 880 : index
      %swap3A_350 = tpu.vector_load %arg5[%swap3A_348, %swap3A_349] {strides = array<i32>} : memref<64x1024xf32, #tpu.memory_space<vmem>>, vector<16xf32>,
      tpu.vector_store %arg5[%swap3A_348, %swap3A_349], %broadcast_in_dim3A_3 {strides = array<i32>} : memref<64x1024xf32, #tpu.memory_space<vmem>>, vector<16xf32>,
      %swap3A_351 = arith.index_cast %scan3A_183 : i32 to index
      %swap3A_352 = arith.constant 896 : index
      %swap3A_353 = tpu.vector_load %arg5[%swap3A_351, %swap3A_352] {strides = array<i32>} : memref<64x1024xf32, #tpu.memory_space<vmem>>, vector<16xf32>,
      tpu.vector_store %arg5[%swap3A_351, %swap3A_352], %broadcast_in_dim3A_3 {strides = array<i32>} : memref<64x1024xf32, #tpu.memory_space<vmem>>, vector<16xf32>,
      %swap3A_354 = arith.index_cast %scan3A_183 : i32 to index
      %swap3A_355 = arith.constant 912 : index
      %swap3A_356 = tpu.vector_load %arg5[%swap3A_354, %swap3A_355] {strides = array<i32>} : memref<64x1024xf32, #tpu.memory_space<vmem>>, vector<16xf32>,
      tpu.vector_store %arg5[%swap3A_354, %swap3A_355], %broadcast_in_dim3A_3 {strides = array<i32>} : memref<64x1024xf32, #tpu.memory_space<vmem>>, vector<16xf32>,
      %swap3A_357 = arith.index_cast %scan3A_183 : i32 to index
      %swap3A_358 = arith.constant 928 : index
      %swap3A_359 = tpu.vector_load %arg5[%swap3A_357, %swap3A_358] {strides = array<i32>} : memref<64x1024xf32, #tpu.memory_space<vmem>>, vector<16xf32>,
      tpu.vector_store %arg5[%swap3A_357, %swap3A_358], %broadcast_in_dim3A_3 {strides = array<i32>} : memref<64x1024xf32, #tpu.memory_space<vmem>>, vector<16xf32>,
      %swap3A_360 = arith.index_cast %scan3A_183 : i32 to index
      %swap3A_361 = arith.constant 944 : index
      %swap3A_362 = tpu.vector_load %arg5[%swap3A_360, %swap3A_361] {strides = array<i32>} : memref<64x1024xf32, #tpu.memory_space<vmem>>, vector<16xf32>,
      tpu.vector_store %arg5[%swap3A_360, %swap3A_361], %broadcast_in_dim3A_3 {strides = array<i32>} : memref<64x1024xf32, #tpu.memory_space<vmem>>, vector<16xf32>,
      %swap3A_363 = arith.index_cast %scan3A_183 : i32 to index
      %swap3A_364 = arith.constant 960 : index
      %swap3A_365 = tpu.vector_load %arg5[%swap3A_363, %swap3A_364] {strides = array<i32>} : memref<64x1024xf32, #tpu.memory_space<vmem>>, vector<16xf32>,
      tpu.vector_store %arg5[%swap3A_363, %swap3A_364], %broadcast_in_dim3A_3 {strides = array<i32>} : memref<64x1024xf32, #tpu.memory_space<vmem>>, vector<16xf32>,
      %swap3A_366 = arith.index_cast %scan3A_183 : i32 to index
      %swap3A_367 = arith.constant 976 : index
      %swap3A_368 = tpu.vector_load %arg5[%swap3A_366, %swap3A_367] {strides = array<i32>} : memref<64x1024xf32, #tpu.memory_space<vmem>>, vector<16xf32>,
      tpu.vector_store %arg5[%swap3A_366, %swap3A_367], %broadcast_in_dim3A_3 {strides = array<i32>} : memref<64x1024xf32, #tpu.memory_space<vmem>>, vector<16xf32>,
      %swap3A_369 = arith.index_cast %scan3A_183 : i32 to index
      %swap3A_370 = arith.constant 992 : index
      %swap3A_371 = tpu.vector_load %arg5[%swap3A_369, %swap3A_370] {strides = array<i32>} : memref<64x1024xf32, #tpu.memory_space<vmem>>, vector<16xf32>,
      tpu.vector_store %arg5[%swap3A_369, %swap3A_370], %broadcast_in_dim3A_3 {strides = array<i32>} : memref<64x1024xf32, #tpu.memory_space<vmem>>, vector<16xf32>,
      %swap3A_372 = arith.index_cast %scan3A_183 : i32 to index
      %swap3A_373 = arith.constant 1008 : index
      %swap3A_374 = tpu.vector_load %arg5[%swap3A_372, %swap3A_373] {strides = array<i32>} : memref<64x1024xf32, #tpu.memory_space<vmem>>, vector<16xf32>,
      tpu.vector_store %arg5[%swap3A_372, %swap3A_373], %broadcast_in_dim3A_3 {strides = array<i32>} : memref<64x1024xf32, #tpu.memory_space<vmem>>, vector<16xf32>,
    }
    %scan3A_47 = arith.constant 64 : i32
    %dma_wait3A = arith.constant 0 : i32
    %dma_wait3A_48 = tpu.memref_slice %arg2[%dma_wait3A, %add3A_23] : memref<200x4096xi32, #tpu.memory_space<hbm>> -> memref<200x128xi32, #tpu.memory_space<hbm>>
    %dma_wait3A_49 = arith.constant 0 : i32
    %dma_wait3A_50 = tpu.memref_slice %arg2[%dma_wait3A_49, %add3A_23] : memref<200x4096xi32, #tpu.memory_space<hbm>> -> memref<200x128xi32, #tpu.memory_space<hbm>>
    tpu.wait_dma2 semaphore(%arg6 : memref<!tpu.dma_semaphore, #tpu.memory_space<semaphore_mem>>) src(%dma_wait3A_50 : memref<200x128xi32, #tpu.memory_space<hbm>>) dst(%arg4 : memref<200x128xi32, #tpu.memory_space<vmem>>)
    %add3A_51 = arith.constant 0 : i32
    %add3A_52 = vector.broadcast %add3A_51 : i32 to vector<16xi32>
    %add3A_53 = arith.addi %iota3A, %add3A_52 : vector<16xi32>
    %scan3A_54 = arith.constant 0 : i32
    %scan3A_55 = arith.constant 0 : i32
    %scan3A_56 = arith.constant 50 : i32
    %scan3A_57 = arith.addi %scan3A_55, %scan3A_56 : i32
    %scan3A_58 = arith.constant 1 : i32
    scf.for %scan3A_183 = %scan3A_55 to %scan3A_57 step %scan3A_58  : i32 {
      %mul3A_184 = arith.constant 4 : i32
      %mul3A_185 = arith.muli %scan3A_183, %mul3A_184 : i32
      %add3A_186 = arith.constant 0 : i32
      %add3A_187 = arith.addi %mul3A_185, %add3A_186 : i32
      %add3A_188 = arith.constant 0 : i32
      %add3A_189 = arith.addi %mul3A_39, %add3A_188 : i32
      %get3A = arith.index_cast %add3A_187 : i32 to index
      %get3A_190 = arith.index_cast %add3A_189 : i32 to index
      %get3A_191 = tpu.vector_load %arg4[%get3A, %get3A_190] {strides = array<i32>} : memref<200x128xi32, #tpu.memory_space<vmem>>, vector<16xi32>,
      tpu.vector_store_idx %arg5[%add3A_53, %get3A_191], %broadcast_in_dim3A_1 {add = true} : memref<64x1024xf32, #tpu.memory_space<vmem>>[vector<16xi32>, vector<16xi32>], vector<16xf32>,
      %mul3A_192 = arith.constant 4 : i32
      %mul3A_193 = arith.muli %scan3A_183, %mul3A_192 : i32
      %add3A_194 = arith.constant 1 : i32
      %add3A_195 = arith.addi %mul3A_193, %add3A_194 : i32
      %add3A_196 = arith.constant 0 : i32
      %add3A_197 = arith.addi %mul3A_39, %add3A_196 : i32
      %get3A_198 = arith.index_cast %add3A_195 : i32 to index
      %get3A_199 = arith.index_cast %add3A_197 : i32 to index
      %get3A_200 = tpu.vector_load %arg4[%get3A_198, %get3A_199] {strides = array<i32>} : memref<200x128xi32, #tpu.memory_space<vmem>>, vector<16xi32>,
      tpu.vector_store_idx %arg5[%add3A_53, %get3A_200], %broadcast_in_dim3A_1 {add = true} : memref<64x1024xf32, #tpu.memory_space<vmem>>[vector<16xi32>, vector<16xi32>], vector<16xf32>,
      %mul3A_201 = arith.constant 4 : i32
      %mul3A_202 = arith.muli %scan3A_183, %mul3A_201 : i32
      %add3A_203 = arith.constant 2 : i32
      %add3A_204 = arith.addi %mul3A_202, %add3A_203 : i32
      %add3A_205 = arith.constant 0 : i32
      %add3A_206 = arith.addi %mul3A_39, %add3A_205 : i32
      %get3A_207 = arith.index_cast %add3A_204 : i32 to index
      %get3A_208 = arith.index_cast %add3A_206 : i32 to index
      %get3A_209 = tpu.vector_load %arg4[%get3A_207, %get3A_208] {strides = array<i32>} : memref<200x128xi32, #tpu.memory_space<vmem>>, vector<16xi32>,
      tpu.vector_store_idx %arg5[%add3A_53, %get3A_209], %broadcast_in_dim3A_1 {add = true} : memref<64x1024xf32, #tpu.memory_space<vmem>>[vector<16xi32>, vector<16xi32>], vector<16xf32>,
      %mul3A_210 = arith.constant 4 : i32
      %mul3A_211 = arith.muli %scan3A_183, %mul3A_210 : i32
      %add3A_212 = arith.constant 3 : i32
      %add3A_213 = arith.addi %mul3A_211, %add3A_212 : i32
      %add3A_214 = arith.constant 0 : i32
      %add3A_215 = arith.addi %mul3A_39, %add3A_214 : i32
      %get3A_216 = arith.index_cast %add3A_213 : i32 to index
      %get3A_217 = arith.index_cast %add3A_215 : i32 to index
      %get3A_218 = tpu.vector_load %arg4[%get3A_216, %get3A_217] {strides = array<i32>} : memref<200x128xi32, #tpu.memory_space<vmem>>, vector<16xi32>,
      tpu.vector_store_idx %arg5[%add3A_53, %get3A_218], %broadcast_in_dim3A_1 {add = true} : memref<64x1024xf32, #tpu.memory_space<vmem>>[vector<16xi32>, vector<16xi32>], vector<16xf32>,
    }
    %scan3A_59 = arith.constant 50 : i32
    %mul3A_60 = arith.constant 64 : i32
    %mul3A_61 = arith.muli %add3A, %mul3A_60 : i32
    %add3A_62 = arith.constant 0 : i32
    %add3A_63 = arith.addi %mul3A_61, %add3A_62 : i32
    %dma_start3A_64 = arith.constant 0 : i32
    %dma_start3A_65 = arith.constant 0 : i32
    %dma_start3A_66 = tpu.memref_slice %arg5[%dma_start3A_64, %dma_start3A_65] : memref<64x1024xf32, #tpu.memory_space<vmem>> -> memref<16x1024xf32, #tpu.memory_space<vmem>>
    %dma_start3A_67 = arith.constant 0 : i32
    %dma_start3A_68 = tpu.memref_slice %arg3[%add3A_63, %dma_start3A_67] : memref<2048x1024xf32, #tpu.memory_space<hbm>> -> memref<16x1024xf32, #tpu.memory_space<hbm>>
    %dma_start3A_69 = arith.constant 0 : i32
    %dma_start3A_70 = tpu.memref_slice %arg3[%add3A_63, %dma_start3A_69] : memref<2048x1024xf32, #tpu.memory_space<hbm>> -> memref<16x1024xf32, #tpu.memory_space<hbm>>
    %dma_start3A_71 = arith.constant 0 : i32
    %dma_start3A_72 = arith.constant 0 : i32
    %dma_start3A_73 = tpu.memref_slice %arg5[%dma_start3A_71, %dma_start3A_72] : memref<64x1024xf32, #tpu.memory_space<vmem>> -> memref<16x1024xf32, #tpu.memory_space<vmem>>
    tpu.enqueue_dma source(%dma_start3A_73 : memref<16x1024xf32, #tpu.memory_space<vmem>>) target(%dma_start3A_70 : memref<16x1024xf32, #tpu.memory_space<hbm>>) target_semaphore(%arg6 : memref<!tpu.dma_semaphore, #tpu.memory_space<semaphore_mem>>)
    %add3A_74 = arith.constant 16 : i32
    %add3A_75 = vector.broadcast %add3A_74 : i32 to vector<16xi32>
    %add3A_76 = arith.addi %iota3A, %add3A_75 : vector<16xi32>
    %scan3A_77 = arith.constant 0 : i32
    %scan3A_78 = arith.constant 0 : i32
    %scan3A_79 = arith.constant 50 : i32
    %scan3A_80 = arith.addi %scan3A_78, %scan3A_79 : i32
    %scan3A_81 = arith.constant 1 : i32
    scf.for %scan3A_183 = %scan3A_78 to %scan3A_80 step %scan3A_81  : i32 {
      %mul3A_184 = arith.constant 4 : i32
      %mul3A_185 = arith.muli %scan3A_183, %mul3A_184 : i32
      %add3A_186 = arith.constant 0 : i32
      %add3A_187 = arith.addi %mul3A_185, %add3A_186 : i32
      %add3A_188 = arith.constant 16 : i32
      %add3A_189 = arith.addi %mul3A_39, %add3A_188 : i32
      %get3A = arith.index_cast %add3A_187 : i32 to index
      %get3A_190 = arith.index_cast %add3A_189 : i32 to index
      %get3A_191 = tpu.vector_load %arg4[%get3A, %get3A_190] {strides = array<i32>} : memref<200x128xi32, #tpu.memory_space<vmem>>, vector<16xi32>,
      tpu.vector_store_idx %arg5[%add3A_76, %get3A_191], %broadcast_in_dim3A_1 {add = true} : memref<64x1024xf32, #tpu.memory_space<vmem>>[vector<16xi32>, vector<16xi32>], vector<16xf32>,
      %mul3A_192 = arith.constant 4 : i32
      %mul3A_193 = arith.muli %scan3A_183, %mul3A_192 : i32
      %add3A_194 = arith.constant 1 : i32
      %add3A_195 = arith.addi %mul3A_193, %add3A_194 : i32
      %add3A_196 = arith.constant 16 : i32
      %add3A_197 = arith.addi %mul3A_39, %add3A_196 : i32
      %get3A_198 = arith.index_cast %add3A_195 : i32 to index
      %get3A_199 = arith.index_cast %add3A_197 : i32 to index
      %get3A_200 = tpu.vector_load %arg4[%get3A_198, %get3A_199] {strides = array<i32>} : memref<200x128xi32, #tpu.memory_space<vmem>>, vector<16xi32>,
      tpu.vector_store_idx %arg5[%add3A_76, %get3A_200], %broadcast_in_dim3A_1 {add = true} : memref<64x1024xf32, #tpu.memory_space<vmem>>[vector<16xi32>, vector<16xi32>], vector<16xf32>,
      %mul3A_201 = arith.constant 4 : i32
      %mul3A_202 = arith.muli %scan3A_183, %mul3A_201 : i32
      %add3A_203 = arith.constant 2 : i32
      %add3A_204 = arith.addi %mul3A_202, %add3A_203 : i32
      %add3A_205 = arith.constant 16 : i32
      %add3A_206 = arith.addi %mul3A_39, %add3A_205 : i32
      %get3A_207 = arith.index_cast %add3A_204 : i32 to index
      %get3A_208 = arith.index_cast %add3A_206 : i32 to index
      %get3A_209 = tpu.vector_load %arg4[%get3A_207, %get3A_208] {strides = array<i32>} : memref<200x128xi32, #tpu.memory_space<vmem>>, vector<16xi32>,
      tpu.vector_store_idx %arg5[%add3A_76, %get3A_209], %broadcast_in_dim3A_1 {add = true} : memref<64x1024xf32, #tpu.memory_space<vmem>>[vector<16xi32>, vector<16xi32>], vector<16xf32>,
      %mul3A_210 = arith.constant 4 : i32
      %mul3A_211 = arith.muli %scan3A_183, %mul3A_210 : i32
      %add3A_212 = arith.constant 3 : i32
      %add3A_213 = arith.addi %mul3A_211, %add3A_212 : i32
      %add3A_214 = arith.constant 16 : i32
      %add3A_215 = arith.addi %mul3A_39, %add3A_214 : i32
      %get3A_216 = arith.index_cast %add3A_213 : i32 to index
      %get3A_217 = arith.index_cast %add3A_215 : i32 to index
      %get3A_218 = tpu.vector_load %arg4[%get3A_216, %get3A_217] {strides = array<i32>} : memref<200x128xi32, #tpu.memory_space<vmem>>, vector<16xi32>,
      tpu.vector_store_idx %arg5[%add3A_76, %get3A_218], %broadcast_in_dim3A_1 {add = true} : memref<64x1024xf32, #tpu.memory_space<vmem>>[vector<16xi32>, vector<16xi32>], vector<16xf32>,
    }
    %scan3A_82 = arith.constant 50 : i32
    %mul3A_83 = arith.constant 64 : i32
    %mul3A_84 = arith.muli %add3A, %mul3A_83 : i32
    %add3A_85 = arith.constant 16 : i32
    %add3A_86 = arith.addi %mul3A_84, %add3A_85 : i32
    %dma_start3A_87 = arith.constant 16 : i32
    %dma_start3A_88 = arith.constant 0 : i32
    %dma_start3A_89 = tpu.memref_slice %arg5[%dma_start3A_87, %dma_start3A_88] : memref<64x1024xf32, #tpu.memory_space<vmem>> -> memref<16x1024xf32, #tpu.memory_space<vmem>>
    %dma_start3A_90 = arith.constant 0 : i32
    %dma_start3A_91 = tpu.memref_slice %arg3[%add3A_86, %dma_start3A_90] : memref<2048x1024xf32, #tpu.memory_space<hbm>> -> memref<16x1024xf32, #tpu.memory_space<hbm>>
    %dma_start3A_92 = arith.constant 0 : i32
    %dma_start3A_93 = tpu.memref_slice %arg3[%add3A_86, %dma_start3A_92] : memref<2048x1024xf32, #tpu.memory_space<hbm>> -> memref<16x1024xf32, #tpu.memory_space<hbm>>
    %dma_start3A_94 = arith.constant 16 : i32
    %dma_start3A_95 = arith.constant 0 : i32
    %dma_start3A_96 = tpu.memref_slice %arg5[%dma_start3A_94, %dma_start3A_95] : memref<64x1024xf32, #tpu.memory_space<vmem>> -> memref<16x1024xf32, #tpu.memory_space<vmem>>
    tpu.enqueue_dma source(%dma_start3A_96 : memref<16x1024xf32, #tpu.memory_space<vmem>>) target(%dma_start3A_93 : memref<16x1024xf32, #tpu.memory_space<hbm>>) target_semaphore(%arg6 : memref<!tpu.dma_semaphore, #tpu.memory_space<semaphore_mem>>)
    %add3A_97 = arith.constant 32 : i32
    %add3A_98 = vector.broadcast %add3A_97 : i32 to vector<16xi32>
    %add3A_99 = arith.addi %iota3A, %add3A_98 : vector<16xi32>
    %scan3A_100 = arith.constant 0 : i32
    %scan3A_101 = arith.constant 0 : i32
    %scan3A_102 = arith.constant 50 : i32
    %scan3A_103 = arith.addi %scan3A_101, %scan3A_102 : i32
    %scan3A_104 = arith.constant 1 : i32
    scf.for %scan3A_183 = %scan3A_101 to %scan3A_103 step %scan3A_104  : i32 {
      %mul3A_184 = arith.constant 4 : i32
      %mul3A_185 = arith.muli %scan3A_183, %mul3A_184 : i32
      %add3A_186 = arith.constant 0 : i32
      %add3A_187 = arith.addi %mul3A_185, %add3A_186 : i32
      %add3A_188 = arith.constant 32 : i32
      %add3A_189 = arith.addi %mul3A_39, %add3A_188 : i32
      %get3A = arith.index_cast %add3A_187 : i32 to index
      %get3A_190 = arith.index_cast %add3A_189 : i32 to index
      %get3A_191 = tpu.vector_load %arg4[%get3A, %get3A_190] {strides = array<i32>} : memref<200x128xi32, #tpu.memory_space<vmem>>, vector<16xi32>,
      tpu.vector_store_idx %arg5[%add3A_99, %get3A_191], %broadcast_in_dim3A_1 {add = true} : memref<64x1024xf32, #tpu.memory_space<vmem>>[vector<16xi32>, vector<16xi32>], vector<16xf32>,
      %mul3A_192 = arith.constant 4 : i32
      %mul3A_193 = arith.muli %scan3A_183, %mul3A_192 : i32
      %add3A_194 = arith.constant 1 : i32
      %add3A_195 = arith.addi %mul3A_193, %add3A_194 : i32
      %add3A_196 = arith.constant 32 : i32
      %add3A_197 = arith.addi %mul3A_39, %add3A_196 : i32
      %get3A_198 = arith.index_cast %add3A_195 : i32 to index
      %get3A_199 = arith.index_cast %add3A_197 : i32 to index
      %get3A_200 = tpu.vector_load %arg4[%get3A_198, %get3A_199] {strides = array<i32>} : memref<200x128xi32, #tpu.memory_space<vmem>>, vector<16xi32>,
      tpu.vector_store_idx %arg5[%add3A_99, %get3A_200], %broadcast_in_dim3A_1 {add = true} : memref<64x1024xf32, #tpu.memory_space<vmem>>[vector<16xi32>, vector<16xi32>], vector<16xf32>,
      %mul3A_201 = arith.constant 4 : i32
      %mul3A_202 = arith.muli %scan3A_183, %mul3A_201 : i32
      %add3A_203 = arith.constant 2 : i32
      %add3A_204 = arith.addi %mul3A_202, %add3A_203 : i32
      %add3A_205 = arith.constant 32 : i32
      %add3A_206 = arith.addi %mul3A_39, %add3A_205 : i32
      %get3A_207 = arith.index_cast %add3A_204 : i32 to index
      %get3A_208 = arith.index_cast %add3A_206 : i32 to index
      %get3A_209 = tpu.vector_load %arg4[%get3A_207, %get3A_208] {strides = array<i32>} : memref<200x128xi32, #tpu.memory_space<vmem>>, vector<16xi32>,
      tpu.vector_store_idx %arg5[%add3A_99, %get3A_209], %broadcast_in_dim3A_1 {add = true} : memref<64x1024xf32, #tpu.memory_space<vmem>>[vector<16xi32>, vector<16xi32>], vector<16xf32>,
      %mul3A_210 = arith.constant 4 : i32
      %mul3A_211 = arith.muli %scan3A_183, %mul3A_210 : i32
      %add3A_212 = arith.constant 3 : i32
      %add3A_213 = arith.addi %mul3A_211, %add3A_212 : i32
      %add3A_214 = arith.constant 32 : i32
      %add3A_215 = arith.addi %mul3A_39, %add3A_214 : i32
      %get3A_216 = arith.index_cast %add3A_213 : i32 to index
      %get3A_217 = arith.index_cast %add3A_215 : i32 to index
      %get3A_218 = tpu.vector_load %arg4[%get3A_216, %get3A_217] {strides = array<i32>} : memref<200x128xi32, #tpu.memory_space<vmem>>, vector<16xi32>,
      tpu.vector_store_idx %arg5[%add3A_99, %get3A_218], %broadcast_in_dim3A_1 {add = true} : memref<64x1024xf32, #tpu.memory_space<vmem>>[vector<16xi32>, vector<16xi32>], vector<16xf32>,
    }
    %scan3A_105 = arith.constant 50 : i32
    %mul3A_106 = arith.constant 64 : i32
    %mul3A_107 = arith.muli %add3A, %mul3A_106 : i32
    %add3A_108 = arith.constant 32 : i32
    %add3A_109 = arith.addi %mul3A_107, %add3A_108 : i32
    %dma_start3A_110 = arith.constant 32 : i32
    %dma_start3A_111 = arith.constant 0 : i32
    %dma_start3A_112 = tpu.memref_slice %arg5[%dma_start3A_110, %dma_start3A_111] : memref<64x1024xf32, #tpu.memory_space<vmem>> -> memref<16x1024xf32, #tpu.memory_space<vmem>>
    %dma_start3A_113 = arith.constant 0 : i32
    %dma_start3A_114 = tpu.memref_slice %arg3[%add3A_109, %dma_start3A_113] : memref<2048x1024xf32, #tpu.memory_space<hbm>> -> memref<16x1024xf32, #tpu.memory_space<hbm>>
    %dma_start3A_115 = arith.constant 0 : i32
    %dma_start3A_116 = tpu.memref_slice %arg3[%add3A_109, %dma_start3A_115] : memref<2048x1024xf32, #tpu.memory_space<hbm>> -> memref<16x1024xf32, #tpu.memory_space<hbm>>
    %dma_start3A_117 = arith.constant 32 : i32
    %dma_start3A_118 = arith.constant 0 : i32
    %dma_start3A_119 = tpu.memref_slice %arg5[%dma_start3A_117, %dma_start3A_118] : memref<64x1024xf32, #tpu.memory_space<vmem>> -> memref<16x1024xf32, #tpu.memory_space<vmem>>
    tpu.enqueue_dma source(%dma_start3A_119 : memref<16x1024xf32, #tpu.memory_space<vmem>>) target(%dma_start3A_116 : memref<16x1024xf32, #tpu.memory_space<hbm>>) target_semaphore(%arg6 : memref<!tpu.dma_semaphore, #tpu.memory_space<semaphore_mem>>)
    %add3A_120 = arith.constant 48 : i32
    %add3A_121 = vector.broadcast %add3A_120 : i32 to vector<16xi32>
    %add3A_122 = arith.addi %iota3A, %add3A_121 : vector<16xi32>
    %scan3A_123 = arith.constant 0 : i32
    %scan3A_124 = arith.constant 0 : i32
    %scan3A_125 = arith.constant 50 : i32
    %scan3A_126 = arith.addi %scan3A_124, %scan3A_125 : i32
    %scan3A_127 = arith.constant 1 : i32
    scf.for %scan3A_183 = %scan3A_124 to %scan3A_126 step %scan3A_127  : i32 {
      %mul3A_184 = arith.constant 4 : i32
      %mul3A_185 = arith.muli %scan3A_183, %mul3A_184 : i32
      %add3A_186 = arith.constant 0 : i32
      %add3A_187 = arith.addi %mul3A_185, %add3A_186 : i32
      %add3A_188 = arith.constant 48 : i32
      %add3A_189 = arith.addi %mul3A_39, %add3A_188 : i32
      %get3A = arith.index_cast %add3A_187 : i32 to index
      %get3A_190 = arith.index_cast %add3A_189 : i32 to index
      %get3A_191 = tpu.vector_load %arg4[%get3A, %get3A_190] {strides = array<i32>} : memref<200x128xi32, #tpu.memory_space<vmem>>, vector<16xi32>,
      tpu.vector_store_idx %arg5[%add3A_122, %get3A_191], %broadcast_in_dim3A_1 {add = true} : memref<64x1024xf32, #tpu.memory_space<vmem>>[vector<16xi32>, vector<16xi32>], vector<16xf32>,
      %mul3A_192 = arith.constant 4 : i32
      %mul3A_193 = arith.muli %scan3A_183, %mul3A_192 : i32
      %add3A_194 = arith.constant 1 : i32
      %add3A_195 = arith.addi %mul3A_193, %add3A_194 : i32
      %add3A_196 = arith.constant 48 : i32
      %add3A_197 = arith.addi %mul3A_39, %add3A_196 : i32
      %get3A_198 = arith.index_cast %add3A_195 : i32 to index
      %get3A_199 = arith.index_cast %add3A_197 : i32 to index
      %get3A_200 = tpu.vector_load %arg4[%get3A_198, %get3A_199] {strides = array<i32>} : memref<200x128xi32, #tpu.memory_space<vmem>>, vector<16xi32>,
      tpu.vector_store_idx %arg5[%add3A_122, %get3A_200], %broadcast_in_dim3A_1 {add = true} : memref<64x1024xf32, #tpu.memory_space<vmem>>[vector<16xi32>, vector<16xi32>], vector<16xf32>,
      %mul3A_201 = arith.constant 4 : i32
      %mul3A_202 = arith.muli %scan3A_183, %mul3A_201 : i32
      %add3A_203 = arith.constant 2 : i32
      %add3A_204 = arith.addi %mul3A_202, %add3A_203 : i32
      %add3A_205 = arith.constant 48 : i32
      %add3A_206 = arith.addi %mul3A_39, %add3A_205 : i32
      %get3A_207 = arith.index_cast %add3A_204 : i32 to index
      %get3A_208 = arith.index_cast %add3A_206 : i32 to index
      %get3A_209 = tpu.vector_load %arg4[%get3A_207, %get3A_208] {strides = array<i32>} : memref<200x128xi32, #tpu.memory_space<vmem>>, vector<16xi32>,
      tpu.vector_store_idx %arg5[%add3A_122, %get3A_209], %broadcast_in_dim3A_1 {add = true} : memref<64x1024xf32, #tpu.memory_space<vmem>>[vector<16xi32>, vector<16xi32>], vector<16xf32>,
      %mul3A_210 = arith.constant 4 : i32
      %mul3A_211 = arith.muli %scan3A_183, %mul3A_210 : i32
      %add3A_212 = arith.constant 3 : i32
      %add3A_213 = arith.addi %mul3A_211, %add3A_212 : i32
      %add3A_214 = arith.constant 48 : i32
      %add3A_215 = arith.addi %mul3A_39, %add3A_214 : i32
      %get3A_216 = arith.index_cast %add3A_213 : i32 to index
      %get3A_217 = arith.index_cast %add3A_215 : i32 to index
      %get3A_218 = tpu.vector_load %arg4[%get3A_216, %get3A_217] {strides = array<i32>} : memref<200x128xi32, #tpu.memory_space<vmem>>, vector<16xi32>,
      tpu.vector_store_idx %arg5[%add3A_122, %get3A_218], %broadcast_in_dim3A_1 {add = true} : memref<64x1024xf32, #tpu.memory_space<vmem>>[vector<16xi32>, vector<16xi32>], vector<16xf32>,
    }
    %scan3A_128 = arith.constant 50 : i32
    %mul3A_129 = arith.constant 64 : i32
    %mul3A_130 = arith.muli %add3A, %mul3A_129 : i32
    %add3A_131 = arith.constant 48 : i32
    %add3A_132 = arith.addi %mul3A_130, %add3A_131 : i32
    %dma_start3A_133 = arith.constant 48 : i32
    %dma_start3A_134 = arith.constant 0 : i32
    %dma_start3A_135 = tpu.memref_slice %arg5[%dma_start3A_133, %dma_start3A_134] : memref<64x1024xf32, #tpu.memory_space<vmem>> -> memref<16x1024xf32, #tpu.memory_space<vmem>>
    %dma_start3A_136 = arith.constant 0 : i32
    %dma_start3A_137 = tpu.memref_slice %arg3[%add3A_132, %dma_start3A_136] : memref<2048x1024xf32, #tpu.memory_space<hbm>> -> memref<16x1024xf32, #tpu.memory_space<hbm>>
    %dma_start3A_138 = arith.constant 0 : i32
    %dma_start3A_139 = tpu.memref_slice %arg3[%add3A_132, %dma_start3A_138] : memref<2048x1024xf32, #tpu.memory_space<hbm>> -> memref<16x1024xf32, #tpu.memory_space<hbm>>
    %dma_start3A_140 = arith.constant 48 : i32
    %dma_start3A_141 = arith.constant 0 : i32
    %dma_start3A_142 = tpu.memref_slice %arg5[%dma_start3A_140, %dma_start3A_141] : memref<64x1024xf32, #tpu.memory_space<vmem>> -> memref<16x1024xf32, #tpu.memory_space<vmem>>
    tpu.enqueue_dma source(%dma_start3A_142 : memref<16x1024xf32, #tpu.memory_space<vmem>>) target(%dma_start3A_139 : memref<16x1024xf32, #tpu.memory_space<hbm>>) target_semaphore(%arg6 : memref<!tpu.dma_semaphore, #tpu.memory_space<semaphore_mem>>)
    %dma_wait3A_143 = arith.constant 0 : i32
    %dma_wait3A_144 = arith.constant 0 : i32
    %dma_wait3A_145 = tpu.memref_slice %arg5[%dma_wait3A_143, %dma_wait3A_144] : memref<64x1024xf32, #tpu.memory_space<vmem>> -> memref<16x1024xf32, #tpu.memory_space<vmem>>
    %dma_wait3A_146 = arith.constant 0 : i32
    %dma_wait3A_147 = tpu.memref_slice %arg3[%add3A_63, %dma_wait3A_146] : memref<2048x1024xf32, #tpu.memory_space<hbm>> -> memref<16x1024xf32, #tpu.memory_space<hbm>>
    %dma_wait3A_148 = arith.constant 0 : i32
    %dma_wait3A_149 = tpu.memref_slice %arg3[%add3A_63, %dma_wait3A_148] : memref<2048x1024xf32, #tpu.memory_space<hbm>> -> memref<16x1024xf32, #tpu.memory_space<hbm>>
    %dma_wait3A_150 = arith.constant 0 : i32
    %dma_wait3A_151 = arith.constant 0 : i32
    %dma_wait3A_152 = tpu.memref_slice %arg5[%dma_wait3A_150, %dma_wait3A_151] : memref<64x1024xf32, #tpu.memory_space<vmem>> -> memref<16x1024xf32, #tpu.memory_space<vmem>>
    tpu.wait_dma2 semaphore(%arg6 : memref<!tpu.dma_semaphore, #tpu.memory_space<semaphore_mem>>) src(%dma_wait3A_152 : memref<16x1024xf32, #tpu.memory_space<vmem>>) dst(%dma_wait3A_149 : memref<16x1024xf32, #tpu.memory_space<hbm>>)
    %dma_wait3A_153 = arith.constant 16 : i32
    %dma_wait3A_154 = arith.constant 0 : i32
    %dma_wait3A_155 = tpu.memref_slice %arg5[%dma_wait3A_153, %dma_wait3A_154] : memref<64x1024xf32, #tpu.memory_space<vmem>> -> memref<16x1024xf32, #tpu.memory_space<vmem>>
    %dma_wait3A_156 = arith.constant 0 : i32
    %dma_wait3A_157 = tpu.memref_slice %arg3[%add3A_86, %dma_wait3A_156] : memref<2048x1024xf32, #tpu.memory_space<hbm>> -> memref<16x1024xf32, #tpu.memory_space<hbm>>
    %dma_wait3A_158 = arith.constant 0 : i32
    %dma_wait3A_159 = tpu.memref_slice %arg3[%add3A_86, %dma_wait3A_158] : memref<2048x1024xf32, #tpu.memory_space<hbm>> -> memref<16x1024xf32, #tpu.memory_space<hbm>>
    %dma_wait3A_160 = arith.constant 16 : i32
    %dma_wait3A_161 = arith.constant 0 : i32
    %dma_wait3A_162 = tpu.memref_slice %arg5[%dma_wait3A_160, %dma_wait3A_161] : memref<64x1024xf32, #tpu.memory_space<vmem>> -> memref<16x1024xf32, #tpu.memory_space<vmem>>
    tpu.wait_dma2 semaphore(%arg6 : memref<!tpu.dma_semaphore, #tpu.memory_space<semaphore_mem>>) src(%dma_wait3A_162 : memref<16x1024xf32, #tpu.memory_space<vmem>>) dst(%dma_wait3A_159 : memref<16x1024xf32, #tpu.memory_space<hbm>>)
    %dma_wait3A_163 = arith.constant 32 : i32
    %dma_wait3A_164 = arith.constant 0 : i32
    %dma_wait3A_165 = tpu.memref_slice %arg5[%dma_wait3A_163, %dma_wait3A_164] : memref<64x1024xf32, #tpu.memory_space<vmem>> -> memref<16x1024xf32, #tpu.memory_space<vmem>>
    %dma_wait3A_166 = arith.constant 0 : i32
    %dma_wait3A_167 = tpu.memref_slice %arg3[%add3A_109, %dma_wait3A_166] : memref<2048x1024xf32, #tpu.memory_space<hbm>> -> memref<16x1024xf32, #tpu.memory_space<hbm>>
    %dma_wait3A_168 = arith.constant 0 : i32
    %dma_wait3A_169 = tpu.memref_slice %arg3[%add3A_109, %dma_wait3A_168] : memref<2048x1024xf32, #tpu.memory_space<hbm>> -> memref<16x1024xf32, #tpu.memory_space<hbm>>
    %dma_wait3A_170 = arith.constant 32 : i32
    %dma_wait3A_171 = arith.constant 0 : i32
    %dma_wait3A_172 = tpu.memref_slice %arg5[%dma_wait3A_170, %dma_wait3A_171] : memref<64x1024xf32, #tpu.memory_space<vmem>> -> memref<16x1024xf32, #tpu.memory_space<vmem>>
    tpu.wait_dma2 semaphore(%arg6 : memref<!tpu.dma_semaphore, #tpu.memory_space<semaphore_mem>>) src(%dma_wait3A_172 : memref<16x1024xf32, #tpu.memory_space<vmem>>) dst(%dma_wait3A_169 : memref<16x1024xf32, #tpu.memory_space<hbm>>)
    %dma_wait3A_173 = arith.constant 48 : i32
    %dma_wait3A_174 = arith.constant 0 : i32
    %dma_wait3A_175 = tpu.memref_slice %arg5[%dma_wait3A_173, %dma_wait3A_174] : memref<64x1024xf32, #tpu.memory_space<vmem>> -> memref<16x1024xf32, #tpu.memory_space<vmem>>
    %dma_wait3A_176 = arith.constant 0 : i32
    %dma_wait3A_177 = tpu.memref_slice %arg3[%add3A_132, %dma_wait3A_176] : memref<2048x1024xf32, #tpu.memory_space<hbm>> -> memref<16x1024xf32, #tpu.memory_space<hbm>>
    %dma_wait3A_178 = arith.constant 0 : i32
    %dma_wait3A_179 = tpu.memref_slice %arg3[%add3A_132, %dma_wait3A_178] : memref<2048x1024xf32, #tpu.memory_space<hbm>> -> memref<16x1024xf32, #tpu.memory_space<hbm>>
    %dma_wait3A_180 = arith.constant 48 : i32
    %dma_wait3A_181 = arith.constant 0 : i32
    %dma_wait3A_182 = tpu.memref_slice %arg5[%dma_wait3A_180, %dma_wait3A_181] : memref<64x1024xf32, #tpu.memory_space<vmem>> -> memref<16x1024xf32, #tpu.memory_space<vmem>>
    tpu.wait_dma2 semaphore(%arg6 : memref<!tpu.dma_semaphore, #tpu.memory_space<semaphore_mem>>) src(%dma_wait3A_182 : memref<16x1024xf32, #tpu.memory_space<vmem>>) dst(%dma_wait3A_179 : memref<16x1024xf32, #tpu.memory_space<hbm>>)
    return
  }
}

#map = affine_map<(d0, d1) -> (0, 0)>
module attributes {stable_mosaic.version = 14 : i64} {
  func.func @hist_kernel(%arg0: i32, %arg1: i32, %arg2: memref<200x4096xi32, #tpu.memory_space<hbm>>, %arg3: memref<2048x1024xf32, #tpu.memory_space<hbm>>, %arg4: memref<200x128xi32, #tpu.memory_space<vmem>>, %arg5: memref<64x1024xf32, #tpu.memory_space<vmem>>, %arg6: memref<!tpu.dma_semaphore, #tpu.memory_space<semaphore_mem>>) attributes {dimension_semantics = [#tpu.dimension_semantics<core_parallel>, #tpu.dimension_semantics<subcore_parallel>], iteration_bounds = array<i64: 2, 16>, scalar_prefetch = 0 : i64, scratch_operands = 3 : i64, tpu.core_type = #tpu.core_type<sc_vector_subcore>, window_params = [{transform_indices = #map}, {transform_indices = #map}]} {
    %mul3A = arith.constant 16 : i32
    %mul3A_0 = arith.muli %arg0, %mul3A : i32
    %add3A = arith.addi %mul3A_0, %arg1 : i32
    %broadcast_in_dim3A = arith.constant 1.000000e+00 : f32
    %broadcast_in_dim3A_1 = vector.broadcast %broadcast_in_dim3A : f32 to vector<16xf32>
    %broadcast_in_dim3A_2 = arith.constant 0.000000e+00 : f32
    %broadcast_in_dim3A_3 = vector.broadcast %broadcast_in_dim3A_2 : f32 to vector<16xf32>
    %iota3A = tpu.iota {dimensions = array<i32: 0>} : vector<16xi32>
    %jit3A = arith.constant 2 : i32
    %div3A = arith.divsi %add3A, %jit3A : i32
    %sign3A = arith.constant 0 : i32
    %sign3A_4 = arith.cmpi sgt, %add3A, %sign3A : i32
    %sign3A_5 = arith.extui %sign3A_4 : i1 to i32
    %sign3A_6 = arith.constant 0 : i32
    %sign3A_7 = arith.cmpi slt, %add3A, %sign3A_6 : i32
    %sign3A_8 = arith.extui %sign3A_7 : i1 to i32
    %sign3A_9 = arith.subi %sign3A_5, %sign3A_8 : i32
    %sign3A_10 = arith.constant 0 : i32
    %sign3A_11 = arith.cmpi sgt, %jit3A, %sign3A_10 : i32
    %sign3A_12 = arith.extui %sign3A_11 : i1 to i32
    %sign3A_13 = arith.constant 0 : i32
    %sign3A_14 = arith.cmpi slt, %jit3A, %sign3A_13 : i32
    %sign3A_15 = arith.extui %sign3A_14 : i1 to i32
    %sign3A_16 = arith.subi %sign3A_12, %sign3A_15 : i32
    %ne3A = arith.cmpi ne, %sign3A_9, %sign3A_16 : i32
    %rem3A = arith.remsi %add3A, %jit3A : i32
    %ne3A_17 = arith.constant 0 : i32
    %ne3A_18 = arith.cmpi ne, %rem3A, %ne3A_17 : i32
    %and3A = arith.andi %ne3A, %ne3A_18 : i1
    %sub3A = arith.constant 1 : i32
    %sub3A_19 = arith.subi %div3A, %sub3A : i32
    %select_n3A = arith.select %and3A, %sub3A_19, %div3A : i32
    %mul3A_20 = arith.constant 128 : i32
    %mul3A_21 = arith.muli %select_n3A, %mul3A_20 : i32
    %add3A_22 = arith.constant 0 : i32
    %add3A_23 = arith.addi %add3A_22, %mul3A_21 : i32
    %jit3A_24 = arith.constant 2 : i32
    %eq3A = arith.constant 0 : i32
    %eq3A_25 = arith.cmpi eq, %jit3A_24, %eq3A : i32
    %jit3A_26 = arith.constant 1 : i32
    %select_n3A_27 = arith.select %eq3A_25, %jit3A_26, %jit3A_24 : i32
    %rem3A_28 = arith.remsi %add3A, %select_n3A_27 : i32
    %ne3A_29 = arith.constant 0 : i32
    %ne3A_30 = arith.cmpi ne, %rem3A_28, %ne3A_29 : i32
    %lt3A = arith.constant 0 : i32
    %lt3A_31 = arith.cmpi slt, %rem3A_28, %lt3A : i32
    %lt3A_32 = arith.constant 0 : i32
    %lt3A_33 = arith.cmpi slt, %select_n3A_27, %lt3A_32 : i32
    %ne3A_34 = arith.xori %lt3A_31, %lt3A_33 : i1
    %and3A_35 = arith.andi %ne3A_34, %ne3A_30 : i1
    %add3A_36 = arith.addi %rem3A_28, %select_n3A_27 : i32
    %select_n3A_37 = arith.select %and3A_35, %add3A_36, %rem3A_28 : i32
    %mul3A_38 = arith.constant 64 : i32
    %mul3A_39 = arith.muli %select_n3A_37, %mul3A_38 : i32
    %dma_start3A = arith.constant 0 : i32
    %dma_start3A_40 = tpu.memref_slice %arg2[%dma_start3A, %add3A_23] : memref<200x4096xi32, #tpu.memory_space<hbm>> -> memref<200x128xi32, #tpu.memory_space<hbm>>
    %dma_start3A_41 = arith.constant 0 : i32
    %dma_start3A_42 = tpu.memref_slice %arg2[%dma_start3A_41, %add3A_23] : memref<200x4096xi32, #tpu.memory_space<hbm>> -> memref<200x128xi32, #tpu.memory_space<hbm>>
    tpu.enqueue_dma source(%dma_start3A_42 : memref<200x128xi32, #tpu.memory_space<hbm>>) target(%arg4 : memref<200x128xi32, #tpu.memory_space<vmem>>) target_semaphore(%arg6 : memref<!tpu.dma_semaphore, #tpu.memory_space<semaphore_mem>>)
    %scan3A = arith.constant 0 : i32
    %scan3A_43 = arith.constant 0 : i32
    %scan3A_44 = arith.constant 64 : i32
    %scan3A_45 = arith.addi %scan3A_43, %scan3A_44 : i32
    %scan3A_46 = arith.constant 1 : i32
    scf.for %scan3A_183 = %scan3A_43 to %scan3A_45 step %scan3A_46  : i32 {
      %swap3A = arith.index_cast %scan3A_183 : i32 to index
      %swap3A_184 = arith.constant 0 : index
      %swap3A_185 = tpu.vector_load %arg5[%swap3A, %swap3A_184] {strides = array<i32>} : memref<64x1024xf32, #tpu.memory_space<vmem>>, vector<16xf32>,
      tpu.vector_store %arg5[%swap3A, %swap3A_184], %broadcast_in_dim3A_3 {strides = array<i32>} : memref<64x1024xf32, #tpu.memory_space<vmem>>, vector<16xf32>,
      %swap3A_186 = arith.index_cast %scan3A_183 : i32 to index
      %swap3A_187 = arith.constant 16 : index
      %swap3A_188 = tpu.vector_load %arg5[%swap3A_186, %swap3A_187] {strides = array<i32>} : memref<64x1024xf32, #tpu.memory_space<vmem>>, vector<16xf32>,
      tpu.vector_store %arg5[%swap3A_186, %swap3A_187], %broadcast_in_dim3A_3 {strides = array<i32>} : memref<64x1024xf32, #tpu.memory_space<vmem>>, vector<16xf32>,
      %swap3A_189 = arith.index_cast %scan3A_183 : i32 to index
      %swap3A_190 = arith.constant 32 : index
      %swap3A_191 = tpu.vector_load %arg5[%swap3A_189, %swap3A_190] {strides = array<i32>} : memref<64x1024xf32, #tpu.memory_space<vmem>>, vector<16xf32>,
      tpu.vector_store %arg5[%swap3A_189, %swap3A_190], %broadcast_in_dim3A_3 {strides = array<i32>} : memref<64x1024xf32, #tpu.memory_space<vmem>>, vector<16xf32>,
      %swap3A_192 = arith.index_cast %scan3A_183 : i32 to index
      %swap3A_193 = arith.constant 48 : index
      %swap3A_194 = tpu.vector_load %arg5[%swap3A_192, %swap3A_193] {strides = array<i32>} : memref<64x1024xf32, #tpu.memory_space<vmem>>, vector<16xf32>,
      tpu.vector_store %arg5[%swap3A_192, %swap3A_193], %broadcast_in_dim3A_3 {strides = array<i32>} : memref<64x1024xf32, #tpu.memory_space<vmem>>, vector<16xf32>,
      %swap3A_195 = arith.index_cast %scan3A_183 : i32 to index
      %swap3A_196 = arith.constant 64 : index
      %swap3A_197 = tpu.vector_load %arg5[%swap3A_195, %swap3A_196] {strides = array<i32>} : memref<64x1024xf32, #tpu.memory_space<vmem>>, vector<16xf32>,
      tpu.vector_store %arg5[%swap3A_195, %swap3A_196], %broadcast_in_dim3A_3 {strides = array<i32>} : memref<64x1024xf32, #tpu.memory_space<vmem>>, vector<16xf32>,
      %swap3A_198 = arith.index_cast %scan3A_183 : i32 to index
      %swap3A_199 = arith.constant 80 : index
      %swap3A_200 = tpu.vector_load %arg5[%swap3A_198, %swap3A_199] {strides = array<i32>} : memref<64x1024xf32, #tpu.memory_space<vmem>>, vector<16xf32>,
      tpu.vector_store %arg5[%swap3A_198, %swap3A_199], %broadcast_in_dim3A_3 {strides = array<i32>} : memref<64x1024xf32, #tpu.memory_space<vmem>>, vector<16xf32>,
      %swap3A_201 = arith.index_cast %scan3A_183 : i32 to index
      %swap3A_202 = arith.constant 96 : index
      %swap3A_203 = tpu.vector_load %arg5[%swap3A_201, %swap3A_202] {strides = array<i32>} : memref<64x1024xf32, #tpu.memory_space<vmem>>, vector<16xf32>,
      tpu.vector_store %arg5[%swap3A_201, %swap3A_202], %broadcast_in_dim3A_3 {strides = array<i32>} : memref<64x1024xf32, #tpu.memory_space<vmem>>, vector<16xf32>,
      %swap3A_204 = arith.index_cast %scan3A_183 : i32 to index
      %swap3A_205 = arith.constant 112 : index
      %swap3A_206 = tpu.vector_load %arg5[%swap3A_204, %swap3A_205] {strides = array<i32>} : memref<64x1024xf32, #tpu.memory_space<vmem>>, vector<16xf32>,
      tpu.vector_store %arg5[%swap3A_204, %swap3A_205], %broadcast_in_dim3A_3 {strides = array<i32>} : memref<64x1024xf32, #tpu.memory_space<vmem>>, vector<16xf32>,
      %swap3A_207 = arith.index_cast %scan3A_183 : i32 to index
      %swap3A_208 = arith.constant 128 : index
      %swap3A_209 = tpu.vector_load %arg5[%swap3A_207, %swap3A_208] {strides = array<i32>} : memref<64x1024xf32, #tpu.memory_space<vmem>>, vector<16xf32>,
      tpu.vector_store %arg5[%swap3A_207, %swap3A_208], %broadcast_in_dim3A_3 {strides = array<i32>} : memref<64x1024xf32, #tpu.memory_space<vmem>>, vector<16xf32>,
      %swap3A_210 = arith.index_cast %scan3A_183 : i32 to index
      %swap3A_211 = arith.constant 144 : index
      %swap3A_212 = tpu.vector_load %arg5[%swap3A_210, %swap3A_211] {strides = array<i32>} : memref<64x1024xf32, #tpu.memory_space<vmem>>, vector<16xf32>,
      tpu.vector_store %arg5[%swap3A_210, %swap3A_211], %broadcast_in_dim3A_3 {strides = array<i32>} : memref<64x1024xf32, #tpu.memory_space<vmem>>, vector<16xf32>,
      %swap3A_213 = arith.index_cast %scan3A_183 : i32 to index
      %swap3A_214 = arith.constant 160 : index
      %swap3A_215 = tpu.vector_load %arg5[%swap3A_213, %swap3A_214] {strides = array<i32>} : memref<64x1024xf32, #tpu.memory_space<vmem>>, vector<16xf32>,
      tpu.vector_store %arg5[%swap3A_213, %swap3A_214], %broadcast_in_dim3A_3 {strides = array<i32>} : memref<64x1024xf32, #tpu.memory_space<vmem>>, vector<16xf32>,
      %swap3A_216 = arith.index_cast %scan3A_183 : i32 to index
      %swap3A_217 = arith.constant 176 : index
      %swap3A_218 = tpu.vector_load %arg5[%swap3A_216, %swap3A_217] {strides = array<i32>} : memref<64x1024xf32, #tpu.memory_space<vmem>>, vector<16xf32>,
      tpu.vector_store %arg5[%swap3A_216, %swap3A_217], %broadcast_in_dim3A_3 {strides = array<i32>} : memref<64x1024xf32, #tpu.memory_space<vmem>>, vector<16xf32>,
      %swap3A_219 = arith.index_cast %scan3A_183 : i32 to index
      %swap3A_220 = arith.constant 192 : index
      %swap3A_221 = tpu.vector_load %arg5[%swap3A_219, %swap3A_220] {strides = array<i32>} : memref<64x1024xf32, #tpu.memory_space<vmem>>, vector<16xf32>,
      tpu.vector_store %arg5[%swap3A_219, %swap3A_220], %broadcast_in_dim3A_3 {strides = array<i32>} : memref<64x1024xf32, #tpu.memory_space<vmem>>, vector<16xf32>,
      %swap3A_222 = arith.index_cast %scan3A_183 : i32 to index
      %swap3A_223 = arith.constant 208 : index
      %swap3A_224 = tpu.vector_load %arg5[%swap3A_222, %swap3A_223] {strides = array<i32>} : memref<64x1024xf32, #tpu.memory_space<vmem>>, vector<16xf32>,
      tpu.vector_store %arg5[%swap3A_222, %swap3A_223], %broadcast_in_dim3A_3 {strides = array<i32>} : memref<64x1024xf32, #tpu.memory_space<vmem>>, vector<16xf32>,
      %swap3A_225 = arith.index_cast %scan3A_183 : i32 to index
      %swap3A_226 = arith.constant 224 : index
      %swap3A_227 = tpu.vector_load %arg5[%swap3A_225, %swap3A_226] {strides = array<i32>} : memref<64x1024xf32, #tpu.memory_space<vmem>>, vector<16xf32>,
      tpu.vector_store %arg5[%swap3A_225, %swap3A_226], %broadcast_in_dim3A_3 {strides = array<i32>} : memref<64x1024xf32, #tpu.memory_space<vmem>>, vector<16xf32>,
      %swap3A_228 = arith.index_cast %scan3A_183 : i32 to index
      %swap3A_229 = arith.constant 240 : index
      %swap3A_230 = tpu.vector_load %arg5[%swap3A_228, %swap3A_229] {strides = array<i32>} : memref<64x1024xf32, #tpu.memory_space<vmem>>, vector<16xf32>,
      tpu.vector_store %arg5[%swap3A_228, %swap3A_229], %broadcast_in_dim3A_3 {strides = array<i32>} : memref<64x1024xf32, #tpu.memory_space<vmem>>, vector<16xf32>,
      %swap3A_231 = arith.index_cast %scan3A_183 : i32 to index
      %swap3A_232 = arith.constant 256 : index
      %swap3A_233 = tpu.vector_load %arg5[%swap3A_231, %swap3A_232] {strides = array<i32>} : memref<64x1024xf32, #tpu.memory_space<vmem>>, vector<16xf32>,
      tpu.vector_store %arg5[%swap3A_231, %swap3A_232], %broadcast_in_dim3A_3 {strides = array<i32>} : memref<64x1024xf32, #tpu.memory_space<vmem>>, vector<16xf32>,
      %swap3A_234 = arith.index_cast %scan3A_183 : i32 to index
      %swap3A_235 = arith.constant 272 : index
      %swap3A_236 = tpu.vector_load %arg5[%swap3A_234, %swap3A_235] {strides = array<i32>} : memref<64x1024xf32, #tpu.memory_space<vmem>>, vector<16xf32>,
      tpu.vector_store %arg5[%swap3A_234, %swap3A_235], %broadcast_in_dim3A_3 {strides = array<i32>} : memref<64x1024xf32, #tpu.memory_space<vmem>>, vector<16xf32>,
      %swap3A_237 = arith.index_cast %scan3A_183 : i32 to index
      %swap3A_238 = arith.constant 288 : index
      %swap3A_239 = tpu.vector_load %arg5[%swap3A_237, %swap3A_238] {strides = array<i32>} : memref<64x1024xf32, #tpu.memory_space<vmem>>, vector<16xf32>,
      tpu.vector_store %arg5[%swap3A_237, %swap3A_238], %broadcast_in_dim3A_3 {strides = array<i32>} : memref<64x1024xf32, #tpu.memory_space<vmem>>, vector<16xf32>,
      %swap3A_240 = arith.index_cast %scan3A_183 : i32 to index
      %swap3A_241 = arith.constant 304 : index
      %swap3A_242 = tpu.vector_load %arg5[%swap3A_240, %swap3A_241] {strides = array<i32>} : memref<64x1024xf32, #tpu.memory_space<vmem>>, vector<16xf32>,
      tpu.vector_store %arg5[%swap3A_240, %swap3A_241], %broadcast_in_dim3A_3 {strides = array<i32>} : memref<64x1024xf32, #tpu.memory_space<vmem>>, vector<16xf32>,
      %swap3A_243 = arith.index_cast %scan3A_183 : i32 to index
      %swap3A_244 = arith.constant 320 : index
      %swap3A_245 = tpu.vector_load %arg5[%swap3A_243, %swap3A_244] {strides = array<i32>} : memref<64x1024xf32, #tpu.memory_space<vmem>>, vector<16xf32>,
      tpu.vector_store %arg5[%swap3A_243, %swap3A_244], %broadcast_in_dim3A_3 {strides = array<i32>} : memref<64x1024xf32, #tpu.memory_space<vmem>>, vector<16xf32>,
      %swap3A_246 = arith.index_cast %scan3A_183 : i32 to index
      %swap3A_247 = arith.constant 336 : index
      %swap3A_248 = tpu.vector_load %arg5[%swap3A_246, %swap3A_247] {strides = array<i32>} : memref<64x1024xf32, #tpu.memory_space<vmem>>, vector<16xf32>,
      tpu.vector_store %arg5[%swap3A_246, %swap3A_247], %broadcast_in_dim3A_3 {strides = array<i32>} : memref<64x1024xf32, #tpu.memory_space<vmem>>, vector<16xf32>,
      %swap3A_249 = arith.index_cast %scan3A_183 : i32 to index
      %swap3A_250 = arith.constant 352 : index
      %swap3A_251 = tpu.vector_load %arg5[%swap3A_249, %swap3A_250] {strides = array<i32>} : memref<64x1024xf32, #tpu.memory_space<vmem>>, vector<16xf32>,
      tpu.vector_store %arg5[%swap3A_249, %swap3A_250], %broadcast_in_dim3A_3 {strides = array<i32>} : memref<64x1024xf32, #tpu.memory_space<vmem>>, vector<16xf32>,
      %swap3A_252 = arith.index_cast %scan3A_183 : i32 to index
      %swap3A_253 = arith.constant 368 : index
      %swap3A_254 = tpu.vector_load %arg5[%swap3A_252, %swap3A_253] {strides = array<i32>} : memref<64x1024xf32, #tpu.memory_space<vmem>>, vector<16xf32>,
      tpu.vector_store %arg5[%swap3A_252, %swap3A_253], %broadcast_in_dim3A_3 {strides = array<i32>} : memref<64x1024xf32, #tpu.memory_space<vmem>>, vector<16xf32>,
      %swap3A_255 = arith.index_cast %scan3A_183 : i32 to index
      %swap3A_256 = arith.constant 384 : index
      %swap3A_257 = tpu.vector_load %arg5[%swap3A_255, %swap3A_256] {strides = array<i32>} : memref<64x1024xf32, #tpu.memory_space<vmem>>, vector<16xf32>,
      tpu.vector_store %arg5[%swap3A_255, %swap3A_256], %broadcast_in_dim3A_3 {strides = array<i32>} : memref<64x1024xf32, #tpu.memory_space<vmem>>, vector<16xf32>,
      %swap3A_258 = arith.index_cast %scan3A_183 : i32 to index
      %swap3A_259 = arith.constant 400 : index
      %swap3A_260 = tpu.vector_load %arg5[%swap3A_258, %swap3A_259] {strides = array<i32>} : memref<64x1024xf32, #tpu.memory_space<vmem>>, vector<16xf32>,
      tpu.vector_store %arg5[%swap3A_258, %swap3A_259], %broadcast_in_dim3A_3 {strides = array<i32>} : memref<64x1024xf32, #tpu.memory_space<vmem>>, vector<16xf32>,
      %swap3A_261 = arith.index_cast %scan3A_183 : i32 to index
      %swap3A_262 = arith.constant 416 : index
      %swap3A_263 = tpu.vector_load %arg5[%swap3A_261, %swap3A_262] {strides = array<i32>} : memref<64x1024xf32, #tpu.memory_space<vmem>>, vector<16xf32>,
      tpu.vector_store %arg5[%swap3A_261, %swap3A_262], %broadcast_in_dim3A_3 {strides = array<i32>} : memref<64x1024xf32, #tpu.memory_space<vmem>>, vector<16xf32>,
      %swap3A_264 = arith.index_cast %scan3A_183 : i32 to index
      %swap3A_265 = arith.constant 432 : index
      %swap3A_266 = tpu.vector_load %arg5[%swap3A_264, %swap3A_265] {strides = array<i32>} : memref<64x1024xf32, #tpu.memory_space<vmem>>, vector<16xf32>,
      tpu.vector_store %arg5[%swap3A_264, %swap3A_265], %broadcast_in_dim3A_3 {strides = array<i32>} : memref<64x1024xf32, #tpu.memory_space<vmem>>, vector<16xf32>,
      %swap3A_267 = arith.index_cast %scan3A_183 : i32 to index
      %swap3A_268 = arith.constant 448 : index
      %swap3A_269 = tpu.vector_load %arg5[%swap3A_267, %swap3A_268] {strides = array<i32>} : memref<64x1024xf32, #tpu.memory_space<vmem>>, vector<16xf32>,
      tpu.vector_store %arg5[%swap3A_267, %swap3A_268], %broadcast_in_dim3A_3 {strides = array<i32>} : memref<64x1024xf32, #tpu.memory_space<vmem>>, vector<16xf32>,
      %swap3A_270 = arith.index_cast %scan3A_183 : i32 to index
      %swap3A_271 = arith.constant 464 : index
      %swap3A_272 = tpu.vector_load %arg5[%swap3A_270, %swap3A_271] {strides = array<i32>} : memref<64x1024xf32, #tpu.memory_space<vmem>>, vector<16xf32>,
      tpu.vector_store %arg5[%swap3A_270, %swap3A_271], %broadcast_in_dim3A_3 {strides = array<i32>} : memref<64x1024xf32, #tpu.memory_space<vmem>>, vector<16xf32>,
      %swap3A_273 = arith.index_cast %scan3A_183 : i32 to index
      %swap3A_274 = arith.constant 480 : index
      %swap3A_275 = tpu.vector_load %arg5[%swap3A_273, %swap3A_274] {strides = array<i32>} : memref<64x1024xf32, #tpu.memory_space<vmem>>, vector<16xf32>,
      tpu.vector_store %arg5[%swap3A_273, %swap3A_274], %broadcast_in_dim3A_3 {strides = array<i32>} : memref<64x1024xf32, #tpu.memory_space<vmem>>, vector<16xf32>,
      %swap3A_276 = arith.index_cast %scan3A_183 : i32 to index
      %swap3A_277 = arith.constant 496 : index
      %swap3A_278 = tpu.vector_load %arg5[%swap3A_276, %swap3A_277] {strides = array<i32>} : memref<64x1024xf32, #tpu.memory_space<vmem>>, vector<16xf32>,
      tpu.vector_store %arg5[%swap3A_276, %swap3A_277], %broadcast_in_dim3A_3 {strides = array<i32>} : memref<64x1024xf32, #tpu.memory_space<vmem>>, vector<16xf32>,
      %swap3A_279 = arith.index_cast %scan3A_183 : i32 to index
      %swap3A_280 = arith.constant 512 : index
      %swap3A_281 = tpu.vector_load %arg5[%swap3A_279, %swap3A_280] {strides = array<i32>} : memref<64x1024xf32, #tpu.memory_space<vmem>>, vector<16xf32>,
      tpu.vector_store %arg5[%swap3A_279, %swap3A_280], %broadcast_in_dim3A_3 {strides = array<i32>} : memref<64x1024xf32, #tpu.memory_space<vmem>>, vector<16xf32>,
      %swap3A_282 = arith.index_cast %scan3A_183 : i32 to index
      %swap3A_283 = arith.constant 528 : index
      %swap3A_284 = tpu.vector_load %arg5[%swap3A_282, %swap3A_283] {strides = array<i32>} : memref<64x1024xf32, #tpu.memory_space<vmem>>, vector<16xf32>,
      tpu.vector_store %arg5[%swap3A_282, %swap3A_283], %broadcast_in_dim3A_3 {strides = array<i32>} : memref<64x1024xf32, #tpu.memory_space<vmem>>, vector<16xf32>,
      %swap3A_285 = arith.index_cast %scan3A_183 : i32 to index
      %swap3A_286 = arith.constant 544 : index
      %swap3A_287 = tpu.vector_load %arg5[%swap3A_285, %swap3A_286] {strides = array<i32>} : memref<64x1024xf32, #tpu.memory_space<vmem>>, vector<16xf32>,
      tpu.vector_store %arg5[%swap3A_285, %swap3A_286], %broadcast_in_dim3A_3 {strides = array<i32>} : memref<64x1024xf32, #tpu.memory_space<vmem>>, vector<16xf32>,
      %swap3A_288 = arith.index_cast %scan3A_183 : i32 to index
      %swap3A_289 = arith.constant 560 : index
      %swap3A_290 = tpu.vector_load %arg5[%swap3A_288, %swap3A_289] {strides = array<i32>} : memref<64x1024xf32, #tpu.memory_space<vmem>>, vector<16xf32>,
      tpu.vector_store %arg5[%swap3A_288, %swap3A_289], %broadcast_in_dim3A_3 {strides = array<i32>} : memref<64x1024xf32, #tpu.memory_space<vmem>>, vector<16xf32>,
      %swap3A_291 = arith.index_cast %scan3A_183 : i32 to index
      %swap3A_292 = arith.constant 576 : index
      %swap3A_293 = tpu.vector_load %arg5[%swap3A_291, %swap3A_292] {strides = array<i32>} : memref<64x1024xf32, #tpu.memory_space<vmem>>, vector<16xf32>,
      tpu.vector_store %arg5[%swap3A_291, %swap3A_292], %broadcast_in_dim3A_3 {strides = array<i32>} : memref<64x1024xf32, #tpu.memory_space<vmem>>, vector<16xf32>,
      %swap3A_294 = arith.index_cast %scan3A_183 : i32 to index
      %swap3A_295 = arith.constant 592 : index
      %swap3A_296 = tpu.vector_load %arg5[%swap3A_294, %swap3A_295] {strides = array<i32>} : memref<64x1024xf32, #tpu.memory_space<vmem>>, vector<16xf32>,
      tpu.vector_store %arg5[%swap3A_294, %swap3A_295], %broadcast_in_dim3A_3 {strides = array<i32>} : memref<64x1024xf32, #tpu.memory_space<vmem>>, vector<16xf32>,
      %swap3A_297 = arith.index_cast %scan3A_183 : i32 to index
      %swap3A_298 = arith.constant 608 : index
      %swap3A_299 = tpu.vector_load %arg5[%swap3A_297, %swap3A_298] {strides = array<i32>} : memref<64x1024xf32, #tpu.memory_space<vmem>>, vector<16xf32>,
      tpu.vector_store %arg5[%swap3A_297, %swap3A_298], %broadcast_in_dim3A_3 {strides = array<i32>} : memref<64x1024xf32, #tpu.memory_space<vmem>>, vector<16xf32>,
      %swap3A_300 = arith.index_cast %scan3A_183 : i32 to index
      %swap3A_301 = arith.constant 624 : index
      %swap3A_302 = tpu.vector_load %arg5[%swap3A_300, %swap3A_301] {strides = array<i32>} : memref<64x1024xf32, #tpu.memory_space<vmem>>, vector<16xf32>,
      tpu.vector_store %arg5[%swap3A_300, %swap3A_301], %broadcast_in_dim3A_3 {strides = array<i32>} : memref<64x1024xf32, #tpu.memory_space<vmem>>, vector<16xf32>,
      %swap3A_303 = arith.index_cast %scan3A_183 : i32 to index
      %swap3A_304 = arith.constant 640 : index
      %swap3A_305 = tpu.vector_load %arg5[%swap3A_303, %swap3A_304] {strides = array<i32>} : memref<64x1024xf32, #tpu.memory_space<vmem>>, vector<16xf32>,
      tpu.vector_store %arg5[%swap3A_303, %swap3A_304], %broadcast_in_dim3A_3 {strides = array<i32>} : memref<64x1024xf32, #tpu.memory_space<vmem>>, vector<16xf32>,
      %swap3A_306 = arith.index_cast %scan3A_183 : i32 to index
      %swap3A_307 = arith.constant 656 : index
      %swap3A_308 = tpu.vector_load %arg5[%swap3A_306, %swap3A_307] {strides = array<i32>} : memref<64x1024xf32, #tpu.memory_space<vmem>>, vector<16xf32>,
      tpu.vector_store %arg5[%swap3A_306, %swap3A_307], %broadcast_in_dim3A_3 {strides = array<i32>} : memref<64x1024xf32, #tpu.memory_space<vmem>>, vector<16xf32>,
      %swap3A_309 = arith.index_cast %scan3A_183 : i32 to index
      %swap3A_310 = arith.constant 672 : index
      %swap3A_311 = tpu.vector_load %arg5[%swap3A_309, %swap3A_310] {strides = array<i32>} : memref<64x1024xf32, #tpu.memory_space<vmem>>, vector<16xf32>,
      tpu.vector_store %arg5[%swap3A_309, %swap3A_310], %broadcast_in_dim3A_3 {strides = array<i32>} : memref<64x1024xf32, #tpu.memory_space<vmem>>, vector<16xf32>,
      %swap3A_312 = arith.index_cast %scan3A_183 : i32 to index
      %swap3A_313 = arith.constant 688 : index
      %swap3A_314 = tpu.vector_load %arg5[%swap3A_312, %swap3A_313] {strides = array<i32>} : memref<64x1024xf32, #tpu.memory_space<vmem>>, vector<16xf32>,
      tpu.vector_store %arg5[%swap3A_312, %swap3A_313], %broadcast_in_dim3A_3 {strides = array<i32>} : memref<64x1024xf32, #tpu.memory_space<vmem>>, vector<16xf32>,
      %swap3A_315 = arith.index_cast %scan3A_183 : i32 to index
      %swap3A_316 = arith.constant 704 : index
      %swap3A_317 = tpu.vector_load %arg5[%swap3A_315, %swap3A_316] {strides = array<i32>} : memref<64x1024xf32, #tpu.memory_space<vmem>>, vector<16xf32>,
      tpu.vector_store %arg5[%swap3A_315, %swap3A_316], %broadcast_in_dim3A_3 {strides = array<i32>} : memref<64x1024xf32, #tpu.memory_space<vmem>>, vector<16xf32>,
      %swap3A_318 = arith.index_cast %scan3A_183 : i32 to index
      %swap3A_319 = arith.constant 720 : index
      %swap3A_320 = tpu.vector_load %arg5[%swap3A_318, %swap3A_319] {strides = array<i32>} : memref<64x1024xf32, #tpu.memory_space<vmem>>, vector<16xf32>,
      tpu.vector_store %arg5[%swap3A_318, %swap3A_319], %broadcast_in_dim3A_3 {strides = array<i32>} : memref<64x1024xf32, #tpu.memory_space<vmem>>, vector<16xf32>,
      %swap3A_321 = arith.index_cast %scan3A_183 : i32 to index
      %swap3A_322 = arith.constant 736 : index
      %swap3A_323 = tpu.vector_load %arg5[%swap3A_321, %swap3A_322] {strides = array<i32>} : memref<64x1024xf32, #tpu.memory_space<vmem>>, vector<16xf32>,
      tpu.vector_store %arg5[%swap3A_321, %swap3A_322], %broadcast_in_dim3A_3 {strides = array<i32>} : memref<64x1024xf32, #tpu.memory_space<vmem>>, vector<16xf32>,
      %swap3A_324 = arith.index_cast %scan3A_183 : i32 to index
      %swap3A_325 = arith.constant 752 : index
      %swap3A_326 = tpu.vector_load %arg5[%swap3A_324, %swap3A_325] {strides = array<i32>} : memref<64x1024xf32, #tpu.memory_space<vmem>>, vector<16xf32>,
      tpu.vector_store %arg5[%swap3A_324, %swap3A_325], %broadcast_in_dim3A_3 {strides = array<i32>} : memref<64x1024xf32, #tpu.memory_space<vmem>>, vector<16xf32>,
      %swap3A_327 = arith.index_cast %scan3A_183 : i32 to index
      %swap3A_328 = arith.constant 768 : index
      %swap3A_329 = tpu.vector_load %arg5[%swap3A_327, %swap3A_328] {strides = array<i32>} : memref<64x1024xf32, #tpu.memory_space<vmem>>, vector<16xf32>,
      tpu.vector_store %arg5[%swap3A_327, %swap3A_328], %broadcast_in_dim3A_3 {strides = array<i32>} : memref<64x1024xf32, #tpu.memory_space<vmem>>, vector<16xf32>,
      %swap3A_330 = arith.index_cast %scan3A_183 : i32 to index
      %swap3A_331 = arith.constant 784 : index
      %swap3A_332 = tpu.vector_load %arg5[%swap3A_330, %swap3A_331] {strides = array<i32>} : memref<64x1024xf32, #tpu.memory_space<vmem>>, vector<16xf32>,
      tpu.vector_store %arg5[%swap3A_330, %swap3A_331], %broadcast_in_dim3A_3 {strides = array<i32>} : memref<64x1024xf32, #tpu.memory_space<vmem>>, vector<16xf32>,
      %swap3A_333 = arith.index_cast %scan3A_183 : i32 to index
      %swap3A_334 = arith.constant 800 : index
      %swap3A_335 = tpu.vector_load %arg5[%swap3A_333, %swap3A_334] {strides = array<i32>} : memref<64x1024xf32, #tpu.memory_space<vmem>>, vector<16xf32>,
      tpu.vector_store %arg5[%swap3A_333, %swap3A_334], %broadcast_in_dim3A_3 {strides = array<i32>} : memref<64x1024xf32, #tpu.memory_space<vmem>>, vector<16xf32>,
      %swap3A_336 = arith.index_cast %scan3A_183 : i32 to index
      %swap3A_337 = arith.constant 816 : index
      %swap3A_338 = tpu.vector_load %arg5[%swap3A_336, %swap3A_337] {strides = array<i32>} : memref<64x1024xf32, #tpu.memory_space<vmem>>, vector<16xf32>,
      tpu.vector_store %arg5[%swap3A_336, %swap3A_337], %broadcast_in_dim3A_3 {strides = array<i32>} : memref<64x1024xf32, #tpu.memory_space<vmem>>, vector<16xf32>,
      %swap3A_339 = arith.index_cast %scan3A_183 : i32 to index
      %swap3A_340 = arith.constant 832 : index
      %swap3A_341 = tpu.vector_load %arg5[%swap3A_339, %swap3A_340] {strides = array<i32>} : memref<64x1024xf32, #tpu.memory_space<vmem>>, vector<16xf32>,
      tpu.vector_store %arg5[%swap3A_339, %swap3A_340], %broadcast_in_dim3A_3 {strides = array<i32>} : memref<64x1024xf32, #tpu.memory_space<vmem>>, vector<16xf32>,
      %swap3A_342 = arith.index_cast %scan3A_183 : i32 to index
      %swap3A_343 = arith.constant 848 : index
      %swap3A_344 = tpu.vector_load %arg5[%swap3A_342, %swap3A_343] {strides = array<i32>} : memref<64x1024xf32, #tpu.memory_space<vmem>>, vector<16xf32>,
      tpu.vector_store %arg5[%swap3A_342, %swap3A_343], %broadcast_in_dim3A_3 {strides = array<i32>} : memref<64x1024xf32, #tpu.memory_space<vmem>>, vector<16xf32>,
      %swap3A_345 = arith.index_cast %scan3A_183 : i32 to index
      %swap3A_346 = arith.constant 864 : index
      %swap3A_347 = tpu.vector_load %arg5[%swap3A_345, %swap3A_346] {strides = array<i32>} : memref<64x1024xf32, #tpu.memory_space<vmem>>, vector<16xf32>,
      tpu.vector_store %arg5[%swap3A_345, %swap3A_346], %broadcast_in_dim3A_3 {strides = array<i32>} : memref<64x1024xf32, #tpu.memory_space<vmem>>, vector<16xf32>,
      %swap3A_348 = arith.index_cast %scan3A_183 : i32 to index
      %swap3A_349 = arith.constant 880 : index
      %swap3A_350 = tpu.vector_load %arg5[%swap3A_348, %swap3A_349] {strides = array<i32>} : memref<64x1024xf32, #tpu.memory_space<vmem>>, vector<16xf32>,
      tpu.vector_store %arg5[%swap3A_348, %swap3A_349], %broadcast_in_dim3A_3 {strides = array<i32>} : memref<64x1024xf32, #tpu.memory_space<vmem>>, vector<16xf32>,
      %swap3A_351 = arith.index_cast %scan3A_183 : i32 to index
      %swap3A_352 = arith.constant 896 : index
      %swap3A_353 = tpu.vector_load %arg5[%swap3A_351, %swap3A_352] {strides = array<i32>} : memref<64x1024xf32, #tpu.memory_space<vmem>>, vector<16xf32>,
      tpu.vector_store %arg5[%swap3A_351, %swap3A_352], %broadcast_in_dim3A_3 {strides = array<i32>} : memref<64x1024xf32, #tpu.memory_space<vmem>>, vector<16xf32>,
      %swap3A_354 = arith.index_cast %scan3A_183 : i32 to index
      %swap3A_355 = arith.constant 912 : index
      %swap3A_356 = tpu.vector_load %arg5[%swap3A_354, %swap3A_355] {strides = array<i32>} : memref<64x1024xf32, #tpu.memory_space<vmem>>, vector<16xf32>,
      tpu.vector_store %arg5[%swap3A_354, %swap3A_355], %broadcast_in_dim3A_3 {strides = array<i32>} : memref<64x1024xf32, #tpu.memory_space<vmem>>, vector<16xf32>,
      %swap3A_357 = arith.index_cast %scan3A_183 : i32 to index
      %swap3A_358 = arith.constant 928 : index
      %swap3A_359 = tpu.vector_load %arg5[%swap3A_357, %swap3A_358] {strides = array<i32>} : memref<64x1024xf32, #tpu.memory_space<vmem>>, vector<16xf32>,
      tpu.vector_store %arg5[%swap3A_357, %swap3A_358], %broadcast_in_dim3A_3 {strides = array<i32>} : memref<64x1024xf32, #tpu.memory_space<vmem>>, vector<16xf32>,
      %swap3A_360 = arith.index_cast %scan3A_183 : i32 to index
      %swap3A_361 = arith.constant 944 : index
      %swap3A_362 = tpu.vector_load %arg5[%swap3A_360, %swap3A_361] {strides = array<i32>} : memref<64x1024xf32, #tpu.memory_space<vmem>>, vector<16xf32>,
      tpu.vector_store %arg5[%swap3A_360, %swap3A_361], %broadcast_in_dim3A_3 {strides = array<i32>} : memref<64x1024xf32, #tpu.memory_space<vmem>>, vector<16xf32>,
      %swap3A_363 = arith.index_cast %scan3A_183 : i32 to index
      %swap3A_364 = arith.constant 960 : index
      %swap3A_365 = tpu.vector_load %arg5[%swap3A_363, %swap3A_364] {strides = array<i32>} : memref<64x1024xf32, #tpu.memory_space<vmem>>, vector<16xf32>,
      tpu.vector_store %arg5[%swap3A_363, %swap3A_364], %broadcast_in_dim3A_3 {strides = array<i32>} : memref<64x1024xf32, #tpu.memory_space<vmem>>, vector<16xf32>,
      %swap3A_366 = arith.index_cast %scan3A_183 : i32 to index
      %swap3A_367 = arith.constant 976 : index
      %swap3A_368 = tpu.vector_load %arg5[%swap3A_366, %swap3A_367] {strides = array<i32>} : memref<64x1024xf32, #tpu.memory_space<vmem>>, vector<16xf32>,
      tpu.vector_store %arg5[%swap3A_366, %swap3A_367], %broadcast_in_dim3A_3 {strides = array<i32>} : memref<64x1024xf32, #tpu.memory_space<vmem>>, vector<16xf32>,
      %swap3A_369 = arith.index_cast %scan3A_183 : i32 to index
      %swap3A_370 = arith.constant 992 : index
      %swap3A_371 = tpu.vector_load %arg5[%swap3A_369, %swap3A_370] {strides = array<i32>} : memref<64x1024xf32, #tpu.memory_space<vmem>>, vector<16xf32>,
      tpu.vector_store %arg5[%swap3A_369, %swap3A_370], %broadcast_in_dim3A_3 {strides = array<i32>} : memref<64x1024xf32, #tpu.memory_space<vmem>>, vector<16xf32>,
      %swap3A_372 = arith.index_cast %scan3A_183 : i32 to index
      %swap3A_373 = arith.constant 1008 : index
      %swap3A_374 = tpu.vector_load %arg5[%swap3A_372, %swap3A_373] {strides = array<i32>} : memref<64x1024xf32, #tpu.memory_space<vmem>>, vector<16xf32>,
      tpu.vector_store %arg5[%swap3A_372, %swap3A_373], %broadcast_in_dim3A_3 {strides = array<i32>} : memref<64x1024xf32, #tpu.memory_space<vmem>>, vector<16xf32>,
    }
    %scan3A_47 = arith.constant 64 : i32
    %dma_wait3A = arith.constant 0 : i32
    %dma_wait3A_48 = tpu.memref_slice %arg2[%dma_wait3A, %add3A_23] : memref<200x4096xi32, #tpu.memory_space<hbm>> -> memref<200x128xi32, #tpu.memory_space<hbm>>
    %dma_wait3A_49 = arith.constant 0 : i32
    %dma_wait3A_50 = tpu.memref_slice %arg2[%dma_wait3A_49, %add3A_23] : memref<200x4096xi32, #tpu.memory_space<hbm>> -> memref<200x128xi32, #tpu.memory_space<hbm>>
    tpu.wait_dma2 semaphore(%arg6 : memref<!tpu.dma_semaphore, #tpu.memory_space<semaphore_mem>>) src(%dma_wait3A_50 : memref<200x128xi32, #tpu.memory_space<hbm>>) dst(%arg4 : memref<200x128xi32, #tpu.memory_space<vmem>>)
    %add3A_51 = arith.constant 0 : i32
    %add3A_52 = vector.broadcast %add3A_51 : i32 to vector<16xi32>
    %add3A_53 = arith.addi %iota3A, %add3A_52 : vector<16xi32>
    %scan3A_54 = arith.constant 0 : i32
    %scan3A_55 = arith.constant 0 : i32
    %scan3A_56 = arith.constant 50 : i32
    %scan3A_57 = arith.addi %scan3A_55, %scan3A_56 : i32
    %scan3A_58 = arith.constant 1 : i32
    scf.for %scan3A_183 = %scan3A_55 to %scan3A_57 step %scan3A_58  : i32 {
      %mul3A_184 = arith.constant 4 : i32
      %mul3A_185 = arith.muli %scan3A_183, %mul3A_184 : i32
      %add3A_186 = arith.constant 0 : i32
      %add3A_187 = arith.addi %mul3A_185, %add3A_186 : i32
      %add3A_188 = arith.constant 0 : i32
      %add3A_189 = arith.addi %mul3A_39, %add3A_188 : i32
      %get3A = arith.index_cast %add3A_187 : i32 to index
      %get3A_190 = arith.index_cast %add3A_189 : i32 to index
      %get3A_191 = tpu.vector_load %arg4[%get3A, %get3A_190] {strides = array<i32>} : memref<200x128xi32, #tpu.memory_space<vmem>>, vector<16xi32>,
      tpu.vector_store_idx %arg5[%add3A_53, %get3A_191], %broadcast_in_dim3A_1 {add = true} : memref<64x1024xf32, #tpu.memory_space<vmem>>[vector<16xi32>, vector<16xi32>], vector<16xf32>,
      %mul3A_192 = arith.constant 4 : i32
      %mul3A_193 = arith.muli %scan3A_183, %mul3A_192 : i32
      %add3A_194 = arith.constant 1 : i32
      %add3A_195 = arith.addi %mul3A_193, %add3A_194 : i32
      %add3A_196 = arith.constant 0 : i32
      %add3A_197 = arith.addi %mul3A_39, %add3A_196 : i32
      %get3A_198 = arith.index_cast %add3A_195 : i32 to index
      %get3A_199 = arith.index_cast %add3A_197 : i32 to index
      %get3A_200 = tpu.vector_load %arg4[%get3A_198, %get3A_199] {strides = array<i32>} : memref<200x128xi32, #tpu.memory_space<vmem>>, vector<16xi32>,
      tpu.vector_store_idx %arg5[%add3A_53, %get3A_200], %broadcast_in_dim3A_1 {add = true} : memref<64x1024xf32, #tpu.memory_space<vmem>>[vector<16xi32>, vector<16xi32>], vector<16xf32>,
      %mul3A_201 = arith.constant 4 : i32
      %mul3A_202 = arith.muli %scan3A_183, %mul3A_201 : i32
      %add3A_203 = arith.constant 2 : i32
      %add3A_204 = arith.addi %mul3A_202, %add3A_203 : i32
      %add3A_205 = arith.constant 0 : i32
      %add3A_206 = arith.addi %mul3A_39, %add3A_205 : i32
      %get3A_207 = arith.index_cast %add3A_204 : i32 to index
      %get3A_208 = arith.index_cast %add3A_206 : i32 to index
      %get3A_209 = tpu.vector_load %arg4[%get3A_207, %get3A_208] {strides = array<i32>} : memref<200x128xi32, #tpu.memory_space<vmem>>, vector<16xi32>,
      tpu.vector_store_idx %arg5[%add3A_53, %get3A_209], %broadcast_in_dim3A_1 {add = true} : memref<64x1024xf32, #tpu.memory_space<vmem>>[vector<16xi32>, vector<16xi32>], vector<16xf32>,
      %mul3A_210 = arith.constant 4 : i32
      %mul3A_211 = arith.muli %scan3A_183, %mul3A_210 : i32
      %add3A_212 = arith.constant 3 : i32
      %add3A_213 = arith.addi %mul3A_211, %add3A_212 : i32
      %add3A_214 = arith.constant 0 : i32
      %add3A_215 = arith.addi %mul3A_39, %add3A_214 : i32
      %get3A_216 = arith.index_cast %add3A_213 : i32 to index
      %get3A_217 = arith.index_cast %add3A_215 : i32 to index
      %get3A_218 = tpu.vector_load %arg4[%get3A_216, %get3A_217] {strides = array<i32>} : memref<200x128xi32, #tpu.memory_space<vmem>>, vector<16xi32>,
      tpu.vector_store_idx %arg5[%add3A_53, %get3A_218], %broadcast_in_dim3A_1 {add = true} : memref<64x1024xf32, #tpu.memory_space<vmem>>[vector<16xi32>, vector<16xi32>], vector<16xf32>,
    }
    %scan3A_59 = arith.constant 50 : i32
    %mul3A_60 = arith.constant 64 : i32
    %mul3A_61 = arith.muli %add3A, %mul3A_60 : i32
    %add3A_62 = arith.constant 0 : i32
    %add3A_63 = arith.addi %mul3A_61, %add3A_62 : i32
    %dma_start3A_64 = arith.constant 0 : i32
    %dma_start3A_65 = arith.constant 0 : i32
    %dma_start3A_66 = tpu.memref_slice %arg5[%dma_start3A_64, %dma_start3A_65] : memref<64x1024xf32, #tpu.memory_space<vmem>> -> memref<16x1024xf32, #tpu.memory_space<vmem>>
    %dma_start3A_67 = arith.constant 0 : i32
    %dma_start3A_68 = tpu.memref_slice %arg3[%add3A_63, %dma_start3A_67] : memref<2048x1024xf32, #tpu.memory_space<hbm>> -> memref<16x1024xf32, #tpu.memory_space<hbm>>
    %dma_start3A_69 = arith.constant 0 : i32
    %dma_start3A_70 = tpu.memref_slice %arg3[%add3A_63, %dma_start3A_69] : memref<2048x1024xf32, #tpu.memory_space<hbm>> -> memref<16x1024xf32, #tpu.memory_space<hbm>>
    %dma_start3A_71 = arith.constant 0 : i32
    %dma_start3A_72 = arith.constant 0 : i32
    %dma_start3A_73 = tpu.memref_slice %arg5[%dma_start3A_71, %dma_start3A_72] : memref<64x1024xf32, #tpu.memory_space<vmem>> -> memref<16x1024xf32, #tpu.memory_space<vmem>>
    tpu.enqueue_dma source(%dma_start3A_73 : memref<16x1024xf32, #tpu.memory_space<vmem>>) target(%dma_start3A_70 : memref<16x1024xf32, #tpu.memory_space<hbm>>) target_semaphore(%arg6 : memref<!tpu.dma_semaphore, #tpu.memory_space<semaphore_mem>>)
    %add3A_74 = arith.constant 16 : i32
    %add3A_75 = vector.broadcast %add3A_74 : i32 to vector<16xi32>
    %add3A_76 = arith.addi %iota3A, %add3A_75 : vector<16xi32>
    %scan3A_77 = arith.constant 0 : i32
    %scan3A_78 = arith.constant 0 : i32
    %scan3A_79 = arith.constant 50 : i32
    %scan3A_80 = arith.addi %scan3A_78, %scan3A_79 : i32
    %scan3A_81 = arith.constant 1 : i32
    scf.for %scan3A_183 = %scan3A_78 to %scan3A_80 step %scan3A_81  : i32 {
      %mul3A_184 = arith.constant 4 : i32
      %mul3A_185 = arith.muli %scan3A_183, %mul3A_184 : i32
      %add3A_186 = arith.constant 0 : i32
      %add3A_187 = arith.addi %mul3A_185, %add3A_186 : i32
      %add3A_188 = arith.constant 16 : i32
      %add3A_189 = arith.addi %mul3A_39, %add3A_188 : i32
      %get3A = arith.index_cast %add3A_187 : i32 to index
      %get3A_190 = arith.index_cast %add3A_189 : i32 to index
      %get3A_191 = tpu.vector_load %arg4[%get3A, %get3A_190] {strides = array<i32>} : memref<200x128xi32, #tpu.memory_space<vmem>>, vector<16xi32>,
      tpu.vector_store_idx %arg5[%add3A_76, %get3A_191], %broadcast_in_dim3A_1 {add = true} : memref<64x1024xf32, #tpu.memory_space<vmem>>[vector<16xi32>, vector<16xi32>], vector<16xf32>,
      %mul3A_192 = arith.constant 4 : i32
      %mul3A_193 = arith.muli %scan3A_183, %mul3A_192 : i32
      %add3A_194 = arith.constant 1 : i32
      %add3A_195 = arith.addi %mul3A_193, %add3A_194 : i32
      %add3A_196 = arith.constant 16 : i32
      %add3A_197 = arith.addi %mul3A_39, %add3A_196 : i32
      %get3A_198 = arith.index_cast %add3A_195 : i32 to index
      %get3A_199 = arith.index_cast %add3A_197 : i32 to index
      %get3A_200 = tpu.vector_load %arg4[%get3A_198, %get3A_199] {strides = array<i32>} : memref<200x128xi32, #tpu.memory_space<vmem>>, vector<16xi32>,
      tpu.vector_store_idx %arg5[%add3A_76, %get3A_200], %broadcast_in_dim3A_1 {add = true} : memref<64x1024xf32, #tpu.memory_space<vmem>>[vector<16xi32>, vector<16xi32>], vector<16xf32>,
      %mul3A_201 = arith.constant 4 : i32
      %mul3A_202 = arith.muli %scan3A_183, %mul3A_201 : i32
      %add3A_203 = arith.constant 2 : i32
      %add3A_204 = arith.addi %mul3A_202, %add3A_203 : i32
      %add3A_205 = arith.constant 16 : i32
      %add3A_206 = arith.addi %mul3A_39, %add3A_205 : i32
      %get3A_207 = arith.index_cast %add3A_204 : i32 to index
      %get3A_208 = arith.index_cast %add3A_206 : i32 to index
      %get3A_209 = tpu.vector_load %arg4[%get3A_207, %get3A_208] {strides = array<i32>} : memref<200x128xi32, #tpu.memory_space<vmem>>, vector<16xi32>,
      tpu.vector_store_idx %arg5[%add3A_76, %get3A_209], %broadcast_in_dim3A_1 {add = true} : memref<64x1024xf32, #tpu.memory_space<vmem>>[vector<16xi32>, vector<16xi32>], vector<16xf32>,
      %mul3A_210 = arith.constant 4 : i32
      %mul3A_211 = arith.muli %scan3A_183, %mul3A_210 : i32
      %add3A_212 = arith.constant 3 : i32
      %add3A_213 = arith.addi %mul3A_211, %add3A_212 : i32
      %add3A_214 = arith.constant 16 : i32
      %add3A_215 = arith.addi %mul3A_39, %add3A_214 : i32
      %get3A_216 = arith.index_cast %add3A_213 : i32 to index
      %get3A_217 = arith.index_cast %add3A_215 : i32 to index
      %get3A_218 = tpu.vector_load %arg4[%get3A_216, %get3A_217] {strides = array<i32>} : memref<200x128xi32, #tpu.memory_space<vmem>>, vector<16xi32>,
      tpu.vector_store_idx %arg5[%add3A_76, %get3A_218], %broadcast_in_dim3A_1 {add = true} : memref<64x1024xf32, #tpu.memory_space<vmem>>[vector<16xi32>, vector<16xi32>], vector<16xf32>,
    }
    %scan3A_82 = arith.constant 50 : i32
    %mul3A_83 = arith.constant 64 : i32
    %mul3A_84 = arith.muli %add3A, %mul3A_83 : i32
    %add3A_85 = arith.constant 16 : i32
    %add3A_86 = arith.addi %mul3A_84, %add3A_85 : i32
    %dma_start3A_87 = arith.constant 16 : i32
    %dma_start3A_88 = arith.constant 0 : i32
    %dma_start3A_89 = tpu.memref_slice %arg5[%dma_start3A_87, %dma_start3A_88] : memref<64x1024xf32, #tpu.memory_space<vmem>> -> memref<16x1024xf32, #tpu.memory_space<vmem>>
    %dma_start3A_90 = arith.constant 0 : i32
    %dma_start3A_91 = tpu.memref_slice %arg3[%add3A_86, %dma_start3A_90] : memref<2048x1024xf32, #tpu.memory_space<hbm>> -> memref<16x1024xf32, #tpu.memory_space<hbm>>
    %dma_start3A_92 = arith.constant 0 : i32
    %dma_start3A_93 = tpu.memref_slice %arg3[%add3A_86, %dma_start3A_92] : memref<2048x1024xf32, #tpu.memory_space<hbm>> -> memref<16x1024xf32, #tpu.memory_space<hbm>>
    %dma_start3A_94 = arith.constant 16 : i32
    %dma_start3A_95 = arith.constant 0 : i32
    %dma_start3A_96 = tpu.memref_slice %arg5[%dma_start3A_94, %dma_start3A_95] : memref<64x1024xf32, #tpu.memory_space<vmem>> -> memref<16x1024xf32, #tpu.memory_space<vmem>>
    tpu.enqueue_dma source(%dma_start3A_96 : memref<16x1024xf32, #tpu.memory_space<vmem>>) target(%dma_start3A_93 : memref<16x1024xf32, #tpu.memory_space<hbm>>) target_semaphore(%arg6 : memref<!tpu.dma_semaphore, #tpu.memory_space<semaphore_mem>>)
    %add3A_97 = arith.constant 32 : i32
    %add3A_98 = vector.broadcast %add3A_97 : i32 to vector<16xi32>
    %add3A_99 = arith.addi %iota3A, %add3A_98 : vector<16xi32>
    %scan3A_100 = arith.constant 0 : i32
    %scan3A_101 = arith.constant 0 : i32
    %scan3A_102 = arith.constant 50 : i32
    %scan3A_103 = arith.addi %scan3A_101, %scan3A_102 : i32
    %scan3A_104 = arith.constant 1 : i32
    scf.for %scan3A_183 = %scan3A_101 to %scan3A_103 step %scan3A_104  : i32 {
      %mul3A_184 = arith.constant 4 : i32
      %mul3A_185 = arith.muli %scan3A_183, %mul3A_184 : i32
      %add3A_186 = arith.constant 0 : i32
      %add3A_187 = arith.addi %mul3A_185, %add3A_186 : i32
      %add3A_188 = arith.constant 32 : i32
      %add3A_189 = arith.addi %mul3A_39, %add3A_188 : i32
      %get3A = arith.index_cast %add3A_187 : i32 to index
      %get3A_190 = arith.index_cast %add3A_189 : i32 to index
      %get3A_191 = tpu.vector_load %arg4[%get3A, %get3A_190] {strides = array<i32>} : memref<200x128xi32, #tpu.memory_space<vmem>>, vector<16xi32>,
      tpu.vector_store_idx %arg5[%add3A_99, %get3A_191], %broadcast_in_dim3A_1 {add = true} : memref<64x1024xf32, #tpu.memory_space<vmem>>[vector<16xi32>, vector<16xi32>], vector<16xf32>,
      %mul3A_192 = arith.constant 4 : i32
      %mul3A_193 = arith.muli %scan3A_183, %mul3A_192 : i32
      %add3A_194 = arith.constant 1 : i32
      %add3A_195 = arith.addi %mul3A_193, %add3A_194 : i32
      %add3A_196 = arith.constant 32 : i32
      %add3A_197 = arith.addi %mul3A_39, %add3A_196 : i32
      %get3A_198 = arith.index_cast %add3A_195 : i32 to index
      %get3A_199 = arith.index_cast %add3A_197 : i32 to index
      %get3A_200 = tpu.vector_load %arg4[%get3A_198, %get3A_199] {strides = array<i32>} : memref<200x128xi32, #tpu.memory_space<vmem>>, vector<16xi32>,
      tpu.vector_store_idx %arg5[%add3A_99, %get3A_200], %broadcast_in_dim3A_1 {add = true} : memref<64x1024xf32, #tpu.memory_space<vmem>>[vector<16xi32>, vector<16xi32>], vector<16xf32>,
      %mul3A_201 = arith.constant 4 : i32
      %mul3A_202 = arith.muli %scan3A_183, %mul3A_201 : i32
      %add3A_203 = arith.constant 2 : i32
      %add3A_204 = arith.addi %mul3A_202, %add3A_203 : i32
      %add3A_205 = arith.constant 32 : i32
      %add3A_206 = arith.addi %mul3A_39, %add3A_205 : i32
      %get3A_207 = arith.index_cast %add3A_204 : i32 to index
      %get3A_208 = arith.index_cast %add3A_206 : i32 to index
      %get3A_209 = tpu.vector_load %arg4[%get3A_207, %get3A_208] {strides = array<i32>} : memref<200x128xi32, #tpu.memory_space<vmem>>, vector<16xi32>,
      tpu.vector_store_idx %arg5[%add3A_99, %get3A_209], %broadcast_in_dim3A_1 {add = true} : memref<64x1024xf32, #tpu.memory_space<vmem>>[vector<16xi32>, vector<16xi32>], vector<16xf32>,
      %mul3A_210 = arith.constant 4 : i32
      %mul3A_211 = arith.muli %scan3A_183, %mul3A_210 : i32
      %add3A_212 = arith.constant 3 : i32
      %add3A_213 = arith.addi %mul3A_211, %add3A_212 : i32
      %add3A_214 = arith.constant 32 : i32
      %add3A_215 = arith.addi %mul3A_39, %add3A_214 : i32
      %get3A_216 = arith.index_cast %add3A_213 : i32 to index
      %get3A_217 = arith.index_cast %add3A_215 : i32 to index
      %get3A_218 = tpu.vector_load %arg4[%get3A_216, %get3A_217] {strides = array<i32>} : memref<200x128xi32, #tpu.memory_space<vmem>>, vector<16xi32>,
      tpu.vector_store_idx %arg5[%add3A_99, %get3A_218], %broadcast_in_dim3A_1 {add = true} : memref<64x1024xf32, #tpu.memory_space<vmem>>[vector<16xi32>, vector<16xi32>], vector<16xf32>,
    }
    %scan3A_105 = arith.constant 50 : i32
    %mul3A_106 = arith.constant 64 : i32
    %mul3A_107 = arith.muli %add3A, %mul3A_106 : i32
    %add3A_108 = arith.constant 32 : i32
    %add3A_109 = arith.addi %mul3A_107, %add3A_108 : i32
    %dma_start3A_110 = arith.constant 32 : i32
    %dma_start3A_111 = arith.constant 0 : i32
    %dma_start3A_112 = tpu.memref_slice %arg5[%dma_start3A_110, %dma_start3A_111] : memref<64x1024xf32, #tpu.memory_space<vmem>> -> memref<16x1024xf32, #tpu.memory_space<vmem>>
    %dma_start3A_113 = arith.constant 0 : i32
    %dma_start3A_114 = tpu.memref_slice %arg3[%add3A_109, %dma_start3A_113] : memref<2048x1024xf32, #tpu.memory_space<hbm>> -> memref<16x1024xf32, #tpu.memory_space<hbm>>
    %dma_start3A_115 = arith.constant 0 : i32
    %dma_start3A_116 = tpu.memref_slice %arg3[%add3A_109, %dma_start3A_115] : memref<2048x1024xf32, #tpu.memory_space<hbm>> -> memref<16x1024xf32, #tpu.memory_space<hbm>>
    %dma_start3A_117 = arith.constant 32 : i32
    %dma_start3A_118 = arith.constant 0 : i32
    %dma_start3A_119 = tpu.memref_slice %arg5[%dma_start3A_117, %dma_start3A_118] : memref<64x1024xf32, #tpu.memory_space<vmem>> -> memref<16x1024xf32, #tpu.memory_space<vmem>>
    tpu.enqueue_dma source(%dma_start3A_119 : memref<16x1024xf32, #tpu.memory_space<vmem>>) target(%dma_start3A_116 : memref<16x1024xf32, #tpu.memory_space<hbm>>) target_semaphore(%arg6 : memref<!tpu.dma_semaphore, #tpu.memory_space<semaphore_mem>>)
    %add3A_120 = arith.constant 48 : i32
    %add3A_121 = vector.broadcast %add3A_120 : i32 to vector<16xi32>
    %add3A_122 = arith.addi %iota3A, %add3A_121 : vector<16xi32>
    %scan3A_123 = arith.constant 0 : i32
    %scan3A_124 = arith.constant 0 : i32
    %scan3A_125 = arith.constant 50 : i32
    %scan3A_126 = arith.addi %scan3A_124, %scan3A_125 : i32
    %scan3A_127 = arith.constant 1 : i32
    scf.for %scan3A_183 = %scan3A_124 to %scan3A_126 step %scan3A_127  : i32 {
      %mul3A_184 = arith.constant 4 : i32
      %mul3A_185 = arith.muli %scan3A_183, %mul3A_184 : i32
      %add3A_186 = arith.constant 0 : i32
      %add3A_187 = arith.addi %mul3A_185, %add3A_186 : i32
      %add3A_188 = arith.constant 48 : i32
      %add3A_189 = arith.addi %mul3A_39, %add3A_188 : i32
      %get3A = arith.index_cast %add3A_187 : i32 to index
      %get3A_190 = arith.index_cast %add3A_189 : i32 to index
      %get3A_191 = tpu.vector_load %arg4[%get3A, %get3A_190] {strides = array<i32>} : memref<200x128xi32, #tpu.memory_space<vmem>>, vector<16xi32>,
      tpu.vector_store_idx %arg5[%add3A_122, %get3A_191], %broadcast_in_dim3A_1 {add = true} : memref<64x1024xf32, #tpu.memory_space<vmem>>[vector<16xi32>, vector<16xi32>], vector<16xf32>,
      %mul3A_192 = arith.constant 4 : i32
      %mul3A_193 = arith.muli %scan3A_183, %mul3A_192 : i32
      %add3A_194 = arith.constant 1 : i32
      %add3A_195 = arith.addi %mul3A_193, %add3A_194 : i32
      %add3A_196 = arith.constant 48 : i32
      %add3A_197 = arith.addi %mul3A_39, %add3A_196 : i32
      %get3A_198 = arith.index_cast %add3A_195 : i32 to index
      %get3A_199 = arith.index_cast %add3A_197 : i32 to index
      %get3A_200 = tpu.vector_load %arg4[%get3A_198, %get3A_199] {strides = array<i32>} : memref<200x128xi32, #tpu.memory_space<vmem>>, vector<16xi32>,
      tpu.vector_store_idx %arg5[%add3A_122, %get3A_200], %broadcast_in_dim3A_1 {add = true} : memref<64x1024xf32, #tpu.memory_space<vmem>>[vector<16xi32>, vector<16xi32>], vector<16xf32>,
      %mul3A_201 = arith.constant 4 : i32
      %mul3A_202 = arith.muli %scan3A_183, %mul3A_201 : i32
      %add3A_203 = arith.constant 2 : i32
      %add3A_204 = arith.addi %mul3A_202, %add3A_203 : i32
      %add3A_205 = arith.constant 48 : i32
      %add3A_206 = arith.addi %mul3A_39, %add3A_205 : i32
      %get3A_207 = arith.index_cast %add3A_204 : i32 to index
      %get3A_208 = arith.index_cast %add3A_206 : i32 to index
      %get3A_209 = tpu.vector_load %arg4[%get3A_207, %get3A_208] {strides = array<i32>} : memref<200x128xi32, #tpu.memory_space<vmem>>, vector<16xi32>,
      tpu.vector_store_idx %arg5[%add3A_122, %get3A_209], %broadcast_in_dim3A_1 {add = true} : memref<64x1024xf32, #tpu.memory_space<vmem>>[vector<16xi32>, vector<16xi32>], vector<16xf32>,
      %mul3A_210 = arith.constant 4 : i32
      %mul3A_211 = arith.muli %scan3A_183, %mul3A_210 : i32
      %add3A_212 = arith.constant 3 : i32
      %add3A_213 = arith.addi %mul3A_211, %add3A_212 : i32
      %add3A_214 = arith.constant 48 : i32
      %add3A_215 = arith.addi %mul3A_39, %add3A_214 : i32
      %get3A_216 = arith.index_cast %add3A_213 : i32 to index
      %get3A_217 = arith.index_cast %add3A_215 : i32 to index
      %get3A_218 = tpu.vector_load %arg4[%get3A_216, %get3A_217] {strides = array<i32>} : memref<200x128xi32, #tpu.memory_space<vmem>>, vector<16xi32>,
      tpu.vector_store_idx %arg5[%add3A_122, %get3A_218], %broadcast_in_dim3A_1 {add = true} : memref<64x1024xf32, #tpu.memory_space<vmem>>[vector<16xi32>, vector<16xi32>], vector<16xf32>,
    }
    %scan3A_128 = arith.constant 50 : i32
    %mul3A_129 = arith.constant 64 : i32
    %mul3A_130 = arith.muli %add3A, %mul3A_129 : i32
    %add3A_131 = arith.constant 48 : i32
    %add3A_132 = arith.addi %mul3A_130, %add3A_131 : i32
    %dma_start3A_133 = arith.constant 48 : i32
    %dma_start3A_134 = arith.constant 0 : i32
    %dma_start3A_135 = tpu.memref_slice %arg5[%dma_start3A_133, %dma_start3A_134] : memref<64x1024xf32, #tpu.memory_space<vmem>> -> memref<16x1024xf32, #tpu.memory_space<vmem>>
    %dma_start3A_136 = arith.constant 0 : i32
    %dma_start3A_137 = tpu.memref_slice %arg3[%add3A_132, %dma_start3A_136] : memref<2048x1024xf32, #tpu.memory_space<hbm>> -> memref<16x1024xf32, #tpu.memory_space<hbm>>
    %dma_start3A_138 = arith.constant 0 : i32
    %dma_start3A_139 = tpu.memref_slice %arg3[%add3A_132, %dma_start3A_138] : memref<2048x1024xf32, #tpu.memory_space<hbm>> -> memref<16x1024xf32, #tpu.memory_space<hbm>>
    %dma_start3A_140 = arith.constant 48 : i32
    %dma_start3A_141 = arith.constant 0 : i32
    %dma_start3A_142 = tpu.memref_slice %arg5[%dma_start3A_140, %dma_start3A_141] : memref<64x1024xf32, #tpu.memory_space<vmem>> -> memref<16x1024xf32, #tpu.memory_space<vmem>>
    tpu.enqueue_dma source(%dma_start3A_142 : memref<16x1024xf32, #tpu.memory_space<vmem>>) target(%dma_start3A_139 : memref<16x1024xf32, #tpu.memory_space<hbm>>) target_semaphore(%arg6 : memref<!tpu.dma_semaphore, #tpu.memory_space<semaphore_mem>>)
    %dma_wait3A_143 = arith.constant 0 : i32
    %dma_wait3A_144 = arith.constant 0 : i32
    %dma_wait3A_145 = tpu.memref_slice %arg5[%dma_wait3A_143, %dma_wait3A_144] : memref<64x1024xf32, #tpu.memory_space<vmem>> -> memref<16x1024xf32, #tpu.memory_space<vmem>>
    %dma_wait3A_146 = arith.constant 0 : i32
    %dma_wait3A_147 = tpu.memref_slice %arg3[%add3A_63, %dma_wait3A_146] : memref<2048x1024xf32, #tpu.memory_space<hbm>> -> memref<16x1024xf32, #tpu.memory_space<hbm>>
    %dma_wait3A_148 = arith.constant 0 : i32
    %dma_wait3A_149 = tpu.memref_slice %arg3[%add3A_63, %dma_wait3A_148] : memref<2048x1024xf32, #tpu.memory_space<hbm>> -> memref<16x1024xf32, #tpu.memory_space<hbm>>
    %dma_wait3A_150 = arith.constant 0 : i32
    %dma_wait3A_151 = arith.constant 0 : i32
    %dma_wait3A_152 = tpu.memref_slice %arg5[%dma_wait3A_150, %dma_wait3A_151] : memref<64x1024xf32, #tpu.memory_space<vmem>> -> memref<16x1024xf32, #tpu.memory_space<vmem>>
    tpu.wait_dma2 semaphore(%arg6 : memref<!tpu.dma_semaphore, #tpu.memory_space<semaphore_mem>>) src(%dma_wait3A_152 : memref<16x1024xf32, #tpu.memory_space<vmem>>) dst(%dma_wait3A_149 : memref<16x1024xf32, #tpu.memory_space<hbm>>)
    %dma_wait3A_153 = arith.constant 16 : i32
    %dma_wait3A_154 = arith.constant 0 : i32
    %dma_wait3A_155 = tpu.memref_slice %arg5[%dma_wait3A_153, %dma_wait3A_154] : memref<64x1024xf32, #tpu.memory_space<vmem>> -> memref<16x1024xf32, #tpu.memory_space<vmem>>
    %dma_wait3A_156 = arith.constant 0 : i32
    %dma_wait3A_157 = tpu.memref_slice %arg3[%add3A_86, %dma_wait3A_156] : memref<2048x1024xf32, #tpu.memory_space<hbm>> -> memref<16x1024xf32, #tpu.memory_space<hbm>>
    %dma_wait3A_158 = arith.constant 0 : i32
    %dma_wait3A_159 = tpu.memref_slice %arg3[%add3A_86, %dma_wait3A_158] : memref<2048x1024xf32, #tpu.memory_space<hbm>> -> memref<16x1024xf32, #tpu.memory_space<hbm>>
    %dma_wait3A_160 = arith.constant 16 : i32
    %dma_wait3A_161 = arith.constant 0 : i32
    %dma_wait3A_162 = tpu.memref_slice %arg5[%dma_wait3A_160, %dma_wait3A_161] : memref<64x1024xf32, #tpu.memory_space<vmem>> -> memref<16x1024xf32, #tpu.memory_space<vmem>>
    tpu.wait_dma2 semaphore(%arg6 : memref<!tpu.dma_semaphore, #tpu.memory_space<semaphore_mem>>) src(%dma_wait3A_162 : memref<16x1024xf32, #tpu.memory_space<vmem>>) dst(%dma_wait3A_159 : memref<16x1024xf32, #tpu.memory_space<hbm>>)
    %dma_wait3A_163 = arith.constant 32 : i32
    %dma_wait3A_164 = arith.constant 0 : i32
    %dma_wait3A_165 = tpu.memref_slice %arg5[%dma_wait3A_163, %dma_wait3A_164] : memref<64x1024xf32, #tpu.memory_space<vmem>> -> memref<16x1024xf32, #tpu.memory_space<vmem>>
    %dma_wait3A_166 = arith.constant 0 : i32
    %dma_wait3A_167 = tpu.memref_slice %arg3[%add3A_109, %dma_wait3A_166] : memref<2048x1024xf32, #tpu.memory_space<hbm>> -> memref<16x1024xf32, #tpu.memory_space<hbm>>
    %dma_wait3A_168 = arith.constant 0 : i32
    %dma_wait3A_169 = tpu.memref_slice %arg3[%add3A_109, %dma_wait3A_168] : memref<2048x1024xf32, #tpu.memory_space<hbm>> -> memref<16x1024xf32, #tpu.memory_space<hbm>>
    %dma_wait3A_170 = arith.constant 32 : i32
    %dma_wait3A_171 = arith.constant 0 : i32
    %dma_wait3A_172 = tpu.memref_slice %arg5[%dma_wait3A_170, %dma_wait3A_171] : memref<64x1024xf32, #tpu.memory_space<vmem>> -> memref<16x1024xf32, #tpu.memory_space<vmem>>
    tpu.wait_dma2 semaphore(%arg6 : memref<!tpu.dma_semaphore, #tpu.memory_space<semaphore_mem>>) src(%dma_wait3A_172 : memref<16x1024xf32, #tpu.memory_space<vmem>>) dst(%dma_wait3A_169 : memref<16x1024xf32, #tpu.memory_space<hbm>>)
    %dma_wait3A_173 = arith.constant 48 : i32
    %dma_wait3A_174 = arith.constant 0 : i32
    %dma_wait3A_175 = tpu.memref_slice %arg5[%dma_wait3A_173, %dma_wait3A_174] : memref<64x1024xf32, #tpu.memory_space<vmem>> -> memref<16x1024xf32, #tpu.memory_space<vmem>>
    %dma_wait3A_176 = arith.constant 0 : i32
    %dma_wait3A_177 = tpu.memref_slice %arg3[%add3A_132, %dma_wait3A_176] : memref<2048x1024xf32, #tpu.memory_space<hbm>> -> memref<16x1024xf32, #tpu.memory_space<hbm>>
    %dma_wait3A_178 = arith.constant 0 : i32
    %dma_wait3A_179 = tpu.memref_slice %arg3[%add3A_132, %dma_wait3A_178] : memref<2048x1024xf32, #tpu.memory_space<hbm>> -> memref<16x1024xf32, #tpu.memory_space<hbm>>
    %dma_wait3A_180 = arith.constant 48 : i32
    %dma_wait3A_181 = arith.constant 0 : i32
    %dma_wait3A_182 = tpu.memref_slice %arg5[%dma_wait3A_180, %dma_wait3A_181] : memref<64x1024xf32, #tpu.memory_space<vmem>> -> memref<16x1024xf32, #tpu.memory_space<vmem>>
    tpu.wait_dma2 semaphore(%arg6 : memref<!tpu.dma_semaphore, #tpu.memory_space<semaphore_mem>>) src(%dma_wait3A_182 : memref<16x1024xf32, #tpu.memory_space<vmem>>) dst(%dma_wait3A_179 : memref<16x1024xf32, #tpu.memory_space<hbm>>)
    return
  }
}

module attributes {stable_mosaic.version = 14 : i64} {
  func.func @_lambda_(%arg0: i32, %arg1: memref<1024x1024xf32, #tpu.memory_space<vmem>>, %arg2: memref<1000x512xf32, #tpu.memory_space<vmem>>, %arg3: memref<512x512xf32, #tpu.memory_space<vmem>>, %arg4: memref<1x512xf32, #tpu.memory_space<vmem>>, %arg5: memref<1000x512xf32, #tpu.memory_space<vmem>>, %arg6: memref<1000x1xf32, #tpu.memory_space<vmem>>, %arg7: memref<1000x1024xf32, #tpu.memory_space<vmem>>) attributes {dimension_semantics = [#tpu.dimension_semantics<arbitrary>], iteration_bounds = array<i64: 2>, scalar_prefetch = 0 : i64, scratch_operands = 0 : i64, tpu.core_type = #tpu.core_type<tc>, window_params = [{transform_indices = @transform_0, window_bounds = array<i64: 1024, 1024>}, {pipeline_mode = #tpu.pipeline_mode<synchronous>, transform_indices = @transform_1, window_bounds = array<i64: 1000, 512>}, {pipeline_mode = #tpu.pipeline_mode<synchronous>, transform_indices = @transform_2, window_bounds = array<i64: 512, 512>}, {pipeline_mode = #tpu.pipeline_mode<synchronous>, transform_indices = @transform_3, window_bounds = array<i64: 1, 512>}, {pipeline_mode = #tpu.pipeline_mode<synchronous>, transform_indices = @transform_4, window_bounds = array<i64: 1000, 512>}, {pipeline_mode = #tpu.pipeline_mode<synchronous>, transform_indices = @transform_5, window_bounds = array<i64: 1000, 1>}, {transform_indices = @transform_6, window_bounds = array<i64: 1000, 1024>}]} {
    %get3A = arith.constant 0 : index
    %get3A_0 = arith.constant 0 : index
    %get3A_1 = vector.load %arg1[%get3A, %get3A_0] : memref<1024x1024xf32, #tpu.memory_space<vmem>>, vector<1024x1024xf32>
    %slice3A = vector.extract_strided_slice %get3A_1 {offsets = [0, 0], sizes = [1024, 1], strides = [1, 1]} : vector<1024x1024xf32> to vector<1024x1xf32>
    %sub3A = arith.constant 2.000000e+02 : f32
    %sub3A_2 = vector.broadcast %sub3A : f32 to vector<1024x1xf32>
    %sub3A_3 = arith.subf %sub3A_2, %slice3A : vector<1024x1xf32>
    %slice3A_4 = vector.extract_strided_slice %get3A_1 {offsets = [0, 0], sizes = [1024, 1000], strides = [1, 1]} : vector<1024x1024xf32> to vector<1024x1000xf32>
    %iota3A = tpu.iota {dimensions = array<i32: 1>} : vector<1024x1000xi32>
    %eq3A = arith.constant 0 : i32
    %eq3A_5 = vector.broadcast %eq3A : i32 to vector<1024x1000xi32>
    %eq3A_6 = arith.cmpi eq, %iota3A, %eq3A_5 : vector<1024x1000xi32>
    %jit3A = arith.constant 0.000000e+00 : f32
    %broadcast_in_dim3A = vector.broadcast %jit3A : f32 to vector<1024x1000xf32>
    %select_n3A = arith.select %eq3A_6, %broadcast_in_dim3A, %slice3A_4 : vector<1024x1000xi1>, vector<1024x1000xf32>
    %convert_element_type3A = arith.truncf %select_n3A : vector<1024x1000xf32> to vector<1024x1000xbf16>
    %get3A_7 = arith.constant 0 : index
    %get3A_8 = arith.constant 0 : index
    %get3A_9 = vector.load %arg2[%get3A_7, %get3A_8] : memref<1000x512xf32, #tpu.memory_space<vmem>>, vector<1000x512xf32>
    %convert_element_type3A_10 = arith.truncf %get3A_9 : vector<1000x512xf32> to vector<1000x512xbf16>
    %dot_general3A = arith.constant dense<0.000000e+00> : vector<1024x512xf32>
    %dot_general3A_11 = tpu.matmul %convert_element_type3A, %convert_element_type3A_10, %dot_general3A {dimension_numbers = #tpu.dot_dimension_numbers<[1], [0], [0], [1], [0, 0, 1, 1], [], []>, transpose_lhs_hint = false} : vector<1024x1000xbf16>, vector<1000x512xbf16>, vector<1024x512xf32> -> vector<1024x512xf32>
    %div3A = vector.broadcast %sub3A_3 : vector<1024x1xf32> to vector<1024x512xf32>
    %div3A_12 = arith.divf %dot_general3A_11, %div3A : vector<1024x512xf32>
    %convert_element_type3A_13 = arith.truncf %div3A_12 : vector<1024x512xf32> to vector<1024x512xbf16>
    %get3A_14 = arith.constant 0 : index
    %get3A_15 = arith.constant 0 : index
    %get3A_16 = vector.load %arg3[%get3A_14, %get3A_15] : memref<512x512xf32, #tpu.memory_space<vmem>>, vector<512x512xf32>
    %convert_element_type3A_17 = arith.truncf %get3A_16 : vector<512x512xf32> to vector<512x512xbf16>
    %dot_general3A_18 = arith.constant dense<0.000000e+00> : vector<1024x512xf32>
    %dot_general3A_19 = tpu.matmul %convert_element_type3A_13, %convert_element_type3A_17, %dot_general3A_18 {dimension_numbers = #tpu.dot_dimension_numbers<[1], [0], [0], [1], [0, 0, 1, 1], [], []>, transpose_lhs_hint = false} : vector<1024x512xbf16>, vector<512x512xbf16>, vector<1024x512xf32> -> vector<1024x512xf32>
    %get3A_20 = arith.constant 0 : index
    %get3A_21 = arith.constant 0 : index
    %get3A_22 = vector.load %arg4[%get3A_20, %get3A_21] : memref<1x512xf32, #tpu.memory_space<vmem>>, vector<1x512xf32>
    %add3A = vector.broadcast %get3A_22 : vector<1x512xf32> to vector<1024x512xf32>
    %add3A_23 = arith.addf %dot_general3A_19, %add3A : vector<1024x512xf32>
    %max3A = arith.constant 0.000000e+00 : f32
    %max3A_24 = vector.broadcast %max3A : f32 to vector<1024x512xf32>
    %max3A_25 = arith.maximumf %add3A_23, %max3A_24 : vector<1024x512xf32>
    %get3A_26 = arith.constant 0 : index
    %get3A_27 = arith.constant 0 : index
    %get3A_28 = vector.load %arg5[%get3A_26, %get3A_27] : memref<1000x512xf32, #tpu.memory_space<vmem>>, vector<1000x512xf32>
    %convert_element_type3A_29 = arith.truncf %get3A_28 : vector<1000x512xf32> to vector<1000x512xbf16>
    %convert_element_type3A_30 = arith.truncf %max3A_25 : vector<1024x512xf32> to vector<1024x512xbf16>
    %dot_general3A_31 = arith.constant dense<0.000000e+00> : vector<1000x1024xf32>
    %dot_general3A_32 = tpu.matmul %convert_element_type3A_29, %convert_element_type3A_30, %dot_general3A_31 {dimension_numbers = #tpu.dot_dimension_numbers<[1], [1], [0], [0], [0, 0, 1, 0], [], []>, transpose_lhs_hint = false} : vector<1000x512xbf16>, vector<1024x512xbf16>, vector<1000x1024xf32> -> vector<1000x1024xf32>
    %get3A_33 = arith.constant 0 : index
    %get3A_34 = arith.constant 0 : index
    %get3A_35 = vector.load %arg6[%get3A_33, %get3A_34] : memref<1000x1xf32, #tpu.memory_space<vmem>>, vector<1000x1xf32>
    %add3A_36 = vector.broadcast %get3A_35 : vector<1000x1xf32> to vector<1000x1024xf32>
    %add3A_37 = arith.addf %dot_general3A_32, %add3A_36 : vector<1000x1024xf32>
    %swap3A = arith.constant 0 : index
    %swap3A_38 = arith.constant 0 : index
    %swap3A_39 = vector.load %arg7[%swap3A, %swap3A_38] : memref<1000x1024xf32, #tpu.memory_space<vmem>>, vector<1000x1024xf32>
    tpu.vector_store %arg7[%swap3A, %swap3A_38], %add3A_37 {strides = array<i32>} : memref<1000x1024xf32, #tpu.memory_space<vmem>>, vector<1000x1024xf32>,
    return
  }
  func.func @transform_0(%arg0: i32) -> (i32, i32) {
    %c0_i32 = arith.constant 0 : i32
    %c0_i32_0 = arith.constant 0 : i32
    return %arg0, %c0_i32 : i32, i32
  }
  func.func @transform_1(%arg0: i32) -> (i32, i32) {
    %c0_i32 = arith.constant 0 : i32
    %c0_i32_0 = arith.constant 0 : i32
    %c0_i32_1 = arith.constant 0 : i32
    return %c0_i32, %c0_i32_0 : i32, i32
  }
  func.func @transform_2(%arg0: i32) -> (i32, i32) {
    %c0_i32 = arith.constant 0 : i32
    %c0_i32_0 = arith.constant 0 : i32
    %c0_i32_1 = arith.constant 0 : i32
    return %c0_i32, %c0_i32_0 : i32, i32
  }
  func.func @transform_3(%arg0: i32) -> (i32, i32) {
    %c0_i32 = arith.constant 0 : i32
    %c0_i32_0 = arith.constant 0 : i32
    %c0_i32_1 = arith.constant 0 : i32
    return %c0_i32, %c0_i32_0 : i32, i32
  }
  func.func @transform_4(%arg0: i32) -> (i32, i32) {
    %c0_i32 = arith.constant 0 : i32
    %c0_i32_0 = arith.constant 0 : i32
    %c0_i32_1 = arith.constant 0 : i32
    return %c0_i32, %c0_i32_0 : i32, i32
  }
  func.func @transform_5(%arg0: i32) -> (i32, i32) {
    %c0_i32 = arith.constant 0 : i32
    %c0_i32_0 = arith.constant 0 : i32
    %c0_i32_1 = arith.constant 0 : i32
    return %c0_i32, %c0_i32_0 : i32, i32
  }
  func.func @transform_6(%arg0: i32) -> (i32, i32) {
    %add3A = arith.constant 0 : i32
    %add3A_0 = arith.addi %add3A, %arg0 : i32
    %c0_i32 = arith.constant 0 : i32
    %c0_i32_1 = arith.constant 0 : i32
    return %c0_i32, %add3A_0 : i32, i32
  }
}

module attributes {stable_mosaic.version = 14 : i64} {
  func.func @_mlp_body(%arg0: i32, %arg1: memref<1000x4096xf32, #tpu.memory_space<any>>, %arg2: memref<1024x1024xf32, #tpu.memory_space<vmem>>, %arg3: memref<1000x512xf32, #tpu.memory_space<vmem>>, %arg4: memref<512x512xf32, #tpu.memory_space<vmem>>, %arg5: memref<1x512xf32, #tpu.memory_space<vmem>>, %arg6: memref<1000x512xf32, #tpu.memory_space<vmem>>, %arg7: memref<1000x1xf32, #tpu.memory_space<vmem>>, %arg8: memref<1000x1024xf32, #tpu.memory_space<vmem>>) attributes {dimension_semantics = [#tpu.dimension_semantics<arbitrary>], iteration_bounds = array<i64: 2>, scalar_prefetch = 0 : i64, scratch_operands = 0 : i64, tpu.core_type = #tpu.core_type<tc>, window_params = [{}, {transform_indices = @transform_1, window_bounds = array<i64: 1024, 1024>}, {pipeline_mode = #tpu.pipeline_mode<synchronous>, transform_indices = @transform_2, window_bounds = array<i64: 1000, 512>}, {pipeline_mode = #tpu.pipeline_mode<synchronous>, transform_indices = @transform_3, window_bounds = array<i64: 512, 512>}, {pipeline_mode = #tpu.pipeline_mode<synchronous>, transform_indices = @transform_4, window_bounds = array<i64: 1, 512>}, {pipeline_mode = #tpu.pipeline_mode<synchronous>, transform_indices = @transform_5, window_bounds = array<i64: 1000, 512>}, {pipeline_mode = #tpu.pipeline_mode<synchronous>, transform_indices = @transform_6, window_bounds = array<i64: 1000, 1>}, {transform_indices = @transform_7, window_bounds = array<i64: 1000, 1024>}]} {
    %get3A = arith.constant 0 : index
    %get3A_0 = arith.constant 0 : index
    %get3A_1 = vector.load %arg2[%get3A, %get3A_0] : memref<1024x1024xf32, #tpu.memory_space<vmem>>, vector<1024x1024xf32>
    %slice3A = vector.extract_strided_slice %get3A_1 {offsets = [0, 0], sizes = [1024, 1], strides = [1, 1]} : vector<1024x1024xf32> to vector<1024x1xf32>
    %sub3A = arith.constant 2.000000e+02 : f32
    %sub3A_2 = vector.broadcast %sub3A : f32 to vector<1024x1xf32>
    %sub3A_3 = arith.subf %sub3A_2, %slice3A : vector<1024x1xf32>
    %slice3A_4 = vector.extract_strided_slice %get3A_1 {offsets = [0, 0], sizes = [1024, 1000], strides = [1, 1]} : vector<1024x1024xf32> to vector<1024x1000xf32>
    %iota3A = tpu.iota {dimensions = array<i32: 1>} : vector<1024x1000xi32>
    %eq3A = arith.constant 0 : i32
    %eq3A_5 = vector.broadcast %eq3A : i32 to vector<1024x1000xi32>
    %eq3A_6 = arith.cmpi eq, %iota3A, %eq3A_5 : vector<1024x1000xi32>
    %jit3A = arith.constant 0.000000e+00 : f32
    %broadcast_in_dim3A = vector.broadcast %jit3A : f32 to vector<1024x1000xf32>
    %select_n3A = arith.select %eq3A_6, %broadcast_in_dim3A, %slice3A_4 : vector<1024x1000xi1>, vector<1024x1000xf32>
    %convert_element_type3A = arith.truncf %select_n3A : vector<1024x1000xf32> to vector<1024x1000xbf16>
    %get3A_7 = arith.constant 0 : index
    %get3A_8 = arith.constant 0 : index
    %get3A_9 = vector.load %arg3[%get3A_7, %get3A_8] : memref<1000x512xf32, #tpu.memory_space<vmem>>, vector<1000x512xf32>
    %convert_element_type3A_10 = arith.truncf %get3A_9 : vector<1000x512xf32> to vector<1000x512xbf16>
    %dot_general3A = arith.constant dense<0.000000e+00> : vector<1024x512xf32>
    %dot_general3A_11 = tpu.matmul %convert_element_type3A, %convert_element_type3A_10, %dot_general3A {dimension_numbers = #tpu.dot_dimension_numbers<[1], [0], [0], [1], [0, 0, 1, 1], [], []>, transpose_lhs_hint = false} : vector<1024x1000xbf16>, vector<1000x512xbf16>, vector<1024x512xf32> -> vector<1024x512xf32>
    %div3A = vector.broadcast %sub3A_3 : vector<1024x1xf32> to vector<1024x512xf32>
    %div3A_12 = arith.divf %dot_general3A_11, %div3A : vector<1024x512xf32>
    %convert_element_type3A_13 = arith.truncf %div3A_12 : vector<1024x512xf32> to vector<1024x512xbf16>
    %get3A_14 = arith.constant 0 : index
    %get3A_15 = arith.constant 0 : index
    %get3A_16 = vector.load %arg4[%get3A_14, %get3A_15] : memref<512x512xf32, #tpu.memory_space<vmem>>, vector<512x512xf32>
    %convert_element_type3A_17 = arith.truncf %get3A_16 : vector<512x512xf32> to vector<512x512xbf16>
    %dot_general3A_18 = arith.constant dense<0.000000e+00> : vector<1024x512xf32>
    %dot_general3A_19 = tpu.matmul %convert_element_type3A_13, %convert_element_type3A_17, %dot_general3A_18 {dimension_numbers = #tpu.dot_dimension_numbers<[1], [0], [0], [1], [0, 0, 1, 1], [], []>, transpose_lhs_hint = false} : vector<1024x512xbf16>, vector<512x512xbf16>, vector<1024x512xf32> -> vector<1024x512xf32>
    %get3A_20 = arith.constant 0 : index
    %get3A_21 = arith.constant 0 : index
    %get3A_22 = vector.load %arg5[%get3A_20, %get3A_21] : memref<1x512xf32, #tpu.memory_space<vmem>>, vector<1x512xf32>
    %add3A = vector.broadcast %get3A_22 : vector<1x512xf32> to vector<1024x512xf32>
    %add3A_23 = arith.addf %dot_general3A_19, %add3A : vector<1024x512xf32>
    %max3A = arith.constant 0.000000e+00 : f32
    %max3A_24 = vector.broadcast %max3A : f32 to vector<1024x512xf32>
    %max3A_25 = arith.maximumf %add3A_23, %max3A_24 : vector<1024x512xf32>
    %get3A_26 = arith.constant 0 : index
    %get3A_27 = arith.constant 0 : index
    %get3A_28 = vector.load %arg6[%get3A_26, %get3A_27] : memref<1000x512xf32, #tpu.memory_space<vmem>>, vector<1000x512xf32>
    %convert_element_type3A_29 = arith.truncf %get3A_28 : vector<1000x512xf32> to vector<1000x512xbf16>
    %convert_element_type3A_30 = arith.truncf %max3A_25 : vector<1024x512xf32> to vector<1024x512xbf16>
    %dot_general3A_31 = arith.constant dense<0.000000e+00> : vector<1000x1024xf32>
    %dot_general3A_32 = tpu.matmul %convert_element_type3A_29, %convert_element_type3A_30, %dot_general3A_31 {dimension_numbers = #tpu.dot_dimension_numbers<[1], [1], [0], [0], [0, 0, 1, 0], [], []>, transpose_lhs_hint = false} : vector<1000x512xbf16>, vector<1024x512xbf16>, vector<1000x1024xf32> -> vector<1000x1024xf32>
    %get3A_33 = arith.constant 0 : index
    %get3A_34 = arith.constant 0 : index
    %get3A_35 = vector.load %arg7[%get3A_33, %get3A_34] : memref<1000x1xf32, #tpu.memory_space<vmem>>, vector<1000x1xf32>
    %add3A_36 = vector.broadcast %get3A_35 : vector<1000x1xf32> to vector<1000x1024xf32>
    %add3A_37 = arith.addf %dot_general3A_32, %add3A_36 : vector<1000x1024xf32>
    %swap3A = arith.constant 0 : index
    %swap3A_38 = arith.constant 0 : index
    %swap3A_39 = vector.load %arg8[%swap3A, %swap3A_38] : memref<1000x1024xf32, #tpu.memory_space<vmem>>, vector<1000x1024xf32>
    tpu.vector_store %arg8[%swap3A, %swap3A_38], %add3A_37 {strides = array<i32>} : memref<1000x1024xf32, #tpu.memory_space<vmem>>, vector<1000x1024xf32>,
    return
  }
  func.func @transform_1(%arg0: i32) -> (i32, i32) {
    %c0_i32 = arith.constant 0 : i32
    %c0_i32_0 = arith.constant 0 : i32
    return %arg0, %c0_i32 : i32, i32
  }
  func.func @transform_2(%arg0: i32) -> (i32, i32) {
    %c0_i32 = arith.constant 0 : i32
    %c0_i32_0 = arith.constant 0 : i32
    %c0_i32_1 = arith.constant 0 : i32
    return %c0_i32, %c0_i32_0 : i32, i32
  }
  func.func @transform_3(%arg0: i32) -> (i32, i32) {
    %c0_i32 = arith.constant 0 : i32
    %c0_i32_0 = arith.constant 0 : i32
    %c0_i32_1 = arith.constant 0 : i32
    return %c0_i32, %c0_i32_0 : i32, i32
  }
  func.func @transform_4(%arg0: i32) -> (i32, i32) {
    %c0_i32 = arith.constant 0 : i32
    %c0_i32_0 = arith.constant 0 : i32
    %c0_i32_1 = arith.constant 0 : i32
    return %c0_i32, %c0_i32_0 : i32, i32
  }
  func.func @transform_5(%arg0: i32) -> (i32, i32) {
    %c0_i32 = arith.constant 0 : i32
    %c0_i32_0 = arith.constant 0 : i32
    %c0_i32_1 = arith.constant 0 : i32
    return %c0_i32, %c0_i32_0 : i32, i32
  }
  func.func @transform_6(%arg0: i32) -> (i32, i32) {
    %c0_i32 = arith.constant 0 : i32
    %c0_i32_0 = arith.constant 0 : i32
    %c0_i32_1 = arith.constant 0 : i32
    return %c0_i32, %c0_i32_0 : i32, i32
  }
  func.func @transform_7(%arg0: i32) -> (i32, i32) {
    %add3A = arith.constant 2 : i32
    %add3A_0 = arith.addi %add3A, %arg0 : i32
    %c0_i32 = arith.constant 0 : i32
    %c0_i32_1 = arith.constant 0 : i32
    return %c0_i32, %add3A_0 : i32, i32
  }
}

</mosaic_0001>

<sc_bundles>
// kernel: kernel.6.cloned.1.call-start
scs
__scs_entry_jumppad:
0x0: {  	(pc) =	sbr.rel $0x88, $3  }
0x1: {  	(tag) =	ssettag $0x0;
	lr =	simm.s32 $0x1  }
0x2: {  	[smem:$0x3F9B] =	sst lr;
	_ =	strace $0xD0000000  }
0x3: {  	_ = 	snop  }
0x4: {  	_ = 	snop  }
0x5: {  	_ = 	snop  }
0x6: {  	_ = 	snop  }
0x7: {  	_ = 	snop  }
__scs_overlays_trampoline_lowered:
0x8: {  	[smem:$0x3FAA] =	sst s0  }
0x9: {  	[smem:$0x3FAB] =	sst s1  }
0xa: {  	[smem:$0x3FAC] =	sst s2  }
0xb: {  	[smem:$0x3FAD] =	sst s3  }
0xc: {  	[smem:$0x3FAE] =	sst s4  }
0xd: {  	[smem:$0x3FAF] =	sst s5  }
0xe: {  	[smem:$0x3FB0] =	sst s6  }
0xf: {  	[smem:$0x3FB1] =	sst s7  }
0x10: {  	[smem:$0x3FB2] =	sst s8  }
0x11: {  	[smem:$0x3FB3] =	sst s9;
	s0 =	simm.s32 @!p0 $0x0  }
0x12: {  	s1 =	sld [smem:$0x3F99];
	s0 =	simm.s32 @p0 $0x1  }
0x13: {  	[smem:$0x3FB4] =	sst s0;
	s0 =	simm.s32 @!p1 $0x0  }
0x14: {  	s2 =	sld [smem:$0x3F98];
	s0 =	simm.s32 @p1 $0x1  }
0x15: {  	[smem:$0x3FB5] =	sst s0;
	s0 =	simm.s32 @!p2 $0x0  }
0x16: {  	s3 =	sld [smem:$0x3FDB];
	s0 =	simm.s32 @p2 $0x1  }
0x17: {  	s4 =	simm.s32 $0x1BF5;
	[smem:$0x3FB7] =	sst s0  }
0x18: {  	s0 =	sld [smem:$0x3F9A];
	_ =	swait.ge [sflag:s4], $0x0  }
0x19: {  	s7 =	sld [smem:$0x3F9B]  }
0x1a: {  	s8 =	sadd.s32 $0xFFFFE003, lr  }
0x1b: {  	s9 =	sadd.s32 $0xFFFFFEF7, lr;
	s5 =	simm.s32 $0xFFFFFFFF;
	p2 =	slt.u32 s8, $0xFFFFF086  }
0x1c: {  	p1 =	slt.u32 s9, $0xF7A;
	s5 =	simm.s32 @!p2 $0x0  }
0x1d: {  	s5 =	simm.s32 @p1 $0x1;
	p0 =	seq.s32 s7, s2  }
0x1e: {  	s7 =	smul.u32 @!p0 $0xF7A, s2;
	p2 =	seq.s32 @!p0 s5, $0x0  }
0x1f: {  	s9 =	smul.u32 $0xF7A, s1;
	s8 =	simm.s32 @!p0 $0x1BF5;
	p2 =	por !p2, p0  }
0x20: {  	[sflag:s8] =	ssyncset.s32 @!p0 $0xFFFFF086;
	s6 =	sadd.s32 @!p0 s3, s7;
	s7 =	simm.s32 @!p0 $0x108  }
0x21: {  	s3 =	sadd.s32 s3, s9;
	s6 =	sadd.s32 @!p0 $0x88, s6;
	s7 =	simm.s32 @p2 $0x1082  }
0x22: {  	[simem:s7], [sflag:s8] =	dma.local @!p0 [hbm:s6], $0xF7A  }
0x23: {  	s9 =	sor.u32 $0xD0000000, s2;
	s6 =	simm.s32 $0x108;
	_ =	swait.ge @!p0 [sflag:s8], $0x0  }
0x24: {  	s3 =	sadd.s32 $0x88, s3;
	s6 =	simm.s32 @!p1 $0x1082;
	[sflag:s4] =	ssyncset.s32 $0xFFFFF086  }
0x25: {  	[simem:s6], [sflag:s4] =	dma.local [hbm:s3], $0xF7A  }
0x26: {  	[smem:$0x3F9B] =	sst s1;
	(tag) =	ssettag s2;
	_ =	strace s9  }
0x27: {  	s1 =	sld [smem:$0x3FAB]  }
0x28: {  	s2 =	sld [smem:$0x3FAC]  }
0x29: {  	s4 =	sld [smem:$0x3FAE]  }
0x2a: {  	p0 =	seq.s32 s5, $0x0;
	s5 =	sld [smem:$0x3FAF]  }
0x2b: {  	s6 =	sld [smem:$0x3FB0]  }
0x2c: {  	s7 =	sld [smem:$0x3FB1]  }
0x2d: {  	s3 =	simm.s32 $0x108;
	s8 =	sld [smem:$0x3FB2]  }
0x2e: {  	s3 =	simm.s32 @!p0 $0x1082;
	s9 =	sld [smem:$0x3FB3]  }
0x2f: {  	lr =	sadd.s32 s0, s3;
	s0 =	sld [smem:$0x3FAA]  }
0x30: {  	s3 =	sld [smem:$0x3FAD]  }
0x31: {  	[smem:$0x3FB6] =	sst s10  }
0x32: {  	s10 =	sld [smem:$0x3FB4];
	_ =	sdelay $0x3  }
0x33: {  	p0 =	seq.s32 s10, $0x1;
	s10 =	sld [smem:$0x3FB6];
	_ =	sdelay $0x3  }
0x34: {  	[smem:$0x3FB6] =	sst s10  }
0x35: {  	s10 =	sld [smem:$0x3FB5];
	_ =	sdelay $0x3  }
0x36: {  	p1 =	seq.s32 s10, $0x1;
	s10 =	sld [smem:$0x3FB6];
	_ =	sdelay $0x3  }
0x37: {  	[smem:$0x3FB6] =	sst s10  }
0x38: {  	s10 =	sld [smem:$0x3FB7]  }
0x39: {  	_ = 	snop;
	(pc) =	sbr.ind lr, $3  }
0x3a: {  	_ = 	snop  }
0x3b: {  	_ = 	snop  }
0x3c: {  	p2 =	seq.s32 s10, $0x1;
	s10 =	sld [smem:$0x3FB6]  }
0x3d: {  	_ =	shalt  }
0x3e: {  	_ =	shalt  }
0x3f: {  	_ =	shalt  }
0x40: {  	_ =	shalt  }
0x41: {  	_ =	shalt  }
0x42: {  	_ =	shalt  }
0x43: {  	_ =	shalt  }
0x44: {  	_ =	shalt  }
0x45: {  	_ =	shalt  }
0x46: {  	_ =	shalt  }
0x47: {  	_ =	shalt  }
0x48: {  	_ =	shalt  }
0x49: {  	_ =	shalt  }
0x4a: {  	_ =	shalt  }
0x4b: {  	_ =	shalt  }
0x4c: {  	_ =	shalt  }
0x4d: {  	_ =	shalt  }
0x4e: {  	_ =	shalt  }
0x4f: {  	_ =	shalt  }
0x50: {  	_ =	shalt  }
0x51: {  	_ =	shalt  }
0x52: {  	_ =	shalt  }
0x53: {  	_ =	shalt  }
0x54: {  	_ =	shalt  }
0x55: {  	_ =	shalt  }
0x56: {  	_ =	shalt  }
0x57: {  	_ =	shalt  }
0x58: {  	_ =	shalt  }
0x59: {  	_ =	shalt  }
0x5a: {  	_ =	shalt  }
0x5b: {  	_ =	shalt  }
0x5c: {  	_ =	shalt  }
0x5d: {  	_ =	shalt  }
0x5e: {  	_ =	shalt  }
0x5f: {  	_ =	shalt  }
0x60: {  	_ =	shalt  }
0x61: {  	_ =	shalt  }
0x62: {  	_ =	shalt  }
0x63: {  	_ =	shalt  }
0x64: {  	_ =	shalt  }
0x65: {  	_ =	shalt  }
0x66: {  	_ =	shalt  }
0x67: {  	_ =	shalt  }
0x68: {  	_ =	shalt  }
0x69: {  	_ =	shalt  }
0x6a: {  	_ =	shalt  }
0x6b: {  	_ =	shalt  }
0x6c: {  	_ =	shalt  }
0x6d: {  	_ =	shalt  }
0x6e: {  	_ =	shalt  }
0x6f: {  	_ =	shalt  }
0x70: {  	_ =	shalt  }
0x71: {  	_ =	shalt  }
0x72: {  	_ =	shalt  }
0x73: {  	_ =	shalt  }
0x74: {  	_ =	shalt  }
0x75: {  	_ =	shalt  }
0x76: {  	_ =	shalt  }
0x77: {  	_ =	shalt  }
0x78: {  	_ =	shalt  }
0x79: {  	_ =	shalt  }
0x7a: {  	_ =	shalt  }
0x7b: {  	_ =	shalt  }
0x7c: {  	_ =	shalt  }
0x7d: {  	_ =	shalt  }
0x7e: {  	_ =	shalt  }
0x7f: {  	_ =	shalt  }
0x80: {  	_ =	shalt  }
0x81: {  	_ =	shalt  }
0x82: {  	_ =	shalt  }
0x83: {  	_ =	shalt  }
0x84: {  	_ =	shalt  }
0x85: {  	_ =	shalt  }
0x86: {  	_ =	shalt  }
0x87: {  	_ =	shalt  }
.Lfunc_end0:
.L_simem_size_0:
called_computation_lowered:
.L_overlay_start_0:
0x88: {  	s2 =	sld [smem:$0x3FD9]  }
0x89: {  	s3 =	sld [smem:$0x3FFE];
	_ =	sdelay $0x1  }
0x8a: {  	s1 =	srdreg.scid  }
0x8b: {  	s0 =	sand.u32 $0x1, s1  }
0x8c: {  	s18 =	sshll.u32 s0, $0xA;
	s2 =	sadd.s32 s3, s2  }
0x8d: {  	s2 =	sadd.s32 s2, s18  }
0x8e: {  	[smem:$0x3FC2] =	sst s2  }
0x8f: {  	_ = 	snop  }
0x90: {  	s2 =	sld [smem:$0x3FC9]  }
0x91: {  	s19 =	sld [smem:$0x3FD0];
	(tm) =	ssettm $0x1  }
0x92: {  	s4 =	sld [smem:$0x3FFB];
	_ =	sdelay $0x3  }
0x93: {  	_ =	strace s4  }
0x94: {  	s4 =	sld [smem:$0x3FFC];
	_ =	sdelay $0x3  }
0x95: {  	_ =	strace s4  }
0x96: {  	s4 =	sld [smem:$0x3FFD];
	_ =	sdelay $0x3  }
0x97: {  	_ =	strace s4  }
0x98: {  	_ =	strace $0x8FFFFFFF  }
0x99: {  	s20 =	sld [smem:$0x3FDB];
	_ =	sdelay $0x1  }
0x9a: {  	s5 =	simm.s32 $_scs_section_size  }
0x9b: {  	s6 =	simm.s32 $_size__tile_overlayer_lowered;
	s7 =	simm.s32 $_tile_overlayer_lowered  }
0x9c: {  	s23 =	simm.s32 $0x1BFF;
	s22 =	sshll.u32 s7, $0x1;
	s4 =	sadd.s32 s5, s20  }
0x9d: {  	s8 =	simm.s32 $0x0;
	s21 =	sshll.u32 s6, $0x1;
	s6 =	sadd.s32 s22, s4  }
0x9e: {  	[timem:s8], [sflag:s23] =	dma.local [hbm:s6], s21  }
0x9f: {  	_ =	swait.ge [sflag:s23], s21  }
0xa0: {  	s5 =	ssub.s32 $0x0, s21;
	[sflag:s23] =	ssyncset.done $0x0  }
0xa1: {  	[sflag:s23] =	ssyncadd.s32 s5;
	_ =	sdelay $0x1  }
0xa2: {  	s24 =	simm.s32 $0x1B8B  }
0xa3: {  	_ =	swait.ge [sflag:s24], $0x1  }
0xa4: {  	[sflag:s24] =	ssyncset.done $0x0  }
0xa5: {  	s25 =	simm.s32 $0x1B8E;
	[sflag:s24] =	ssyncadd.s32 $0xFFFFFFFF  }
0xa6: {  	s26 =	simm.s32 $execute0_lowered;
	[smem:$0x3FD2] =	sst s25  }
0xa7: {  	s5 =	sshll.u32 s26, $0x1;
	_ =	strace $0x80000046;
	[dreg:$0x1] =	wrdreg $0xFFFFFFFF  }
0xa8: {  	s28 =	simm.s32 $_size_execute0_lowered;
	s4 =	sadd.s32 s4, s5;
	[dreg:$0x0] =	wrdreg $0x0  }
0xa9: {  	s5 =	sshll.u32 s28, $0x1;
	[dreg:$0x2] =	wrdreg s4  }
0xaa: {  	[dreg:$0x3] =	wrdreg s5  }
0xab: {  	[dreg:$0x4] =	wrdreg $0xC0  }
0xac: {  	_ =	task [dreg:s8], $0x5FFFF  }
0xad: {  	[dreg:$0x1] =	wrdreg $0xFFFFFFFF  }
0xae: {  	[dreg:$0x0] =	wrdreg $0x60  }
0xaf: {  	[dreg:$0x2] =	wrdreg s2  }
0xb0: {  	[dreg:$0x3] =	wrdreg s19  }
0xb1: {  	[dreg:$0x4] =	wrdreg $0x9  }
0xb2: {  	_ =	task.clear_ibuf [dreg:s8], $0x5FFFF;
	_ =	strace $0x90000046  }
0xb3: {  	s29 =	simm.s32 $0x9;
	_ =	strace $0x80000048  }
0xb4: {  	_ =	swait.ge [sflag:s29], $0x1  }
0xb5: {  	[sflag:s29] =	ssyncadd.s32 $0xFFFFFFFF  }
0xb6: {  	_ =	strace $0x90000048  }
0xb7: {  	_ =	sfence  }
0xb8: {  	s30 =	sld [smem:$0x0];
	_ =	sdelay $0x2  }
0xb9: {  	s31 =	sshll.u32 s1, $0xD;
	s1 =	sshrl.u32 s1, $0x2  }
0xba: {  	s3 =	sand.u32 $0x4000, s31;
	s1 =	sadd.s32 s1, s30  }
0xbb: {  	s0 =	sor.u32 s3, s0;
	s1 =	sshll.u32 s1, $0x11  }
0xbc: {  	s0 =	sor.u32 s1, s0  }
0xbd: {  	s0 =	sadd.s32 $0x8F2B, s0  }
0xbe: {  	[sflag:s0] =	ssyncadd.remote.s32 $0x1  }
0xbf: {  	_ =	sfence.sel $0xFFFF  }
0xc0: {  	[dreg:$0x0] =	wrdreg $0xFFFFFFFF;
	(pc) =	sbr.abs _section_cstart, $3  }
0xc1: {  	[dreg:$0x1] =	wrdreg $0xFFFFFFFF  }
0xc2: {  	_ =	task.clear_ibuf [dreg:s8], $0x2FFFF;
	_ =	strace $0x9FFFFFFF  }
0xc3: {  	(tm) =	ssettm $0x7FFFFFFF  }
tec
execute0_lowered:
.L_overlay_start_1:
0x0: {  	(tag) =	ssettag $0x1  }
0x1: {  	v0 =	vimm.s32 $0x2380  }
0x2: {  	vm14 =	vcmask $0x300;
	vm13 =	vcmask $0x704;
	vm12 =	vcmask $0xB08  }
0x3: {  	vm11 =	vcmask $0xF0C;
	vm10 =	vcmask $0x1310;
	vm9 =	vcmask $0x1714  }
0x4: {  	vm8 =	vcmask $0x1B18;
	vm7 =	vcmask $0x1F1C;
	vm6 =	vcmask $0x2320  }
0x5: {  	vm5 =	vcmask $0x2724;
	vm4 =	vcmask $0x2B28;
	vm3 =	vcmask $0x2F2C  }
0x6: {  	vm2 =	vcmask $0x3330;
	vm1 =	vcmask $0x3734;
	vm0 =	vcmask $0x3B38  }
0x7: {  	v2 =	vimm.f32 $1.000000000e+00;
	v3 =	vimm.s32 $0x6380;
	v4 =	vimm.s32 $0xA380  }
0x8: {  	v5 =	vimm.s32 $0xE380;
	v0 =	vsel vm14, $0x0, v0;
	v3 =	vsel vm14, $0x4000, v3  }
0x9: {  	v4 =	vsel vm14, $0x8000, v4;
	v5 =	vsel vm14, $0xC000, v5;
	v0 =	vsel vm13, $0x80, v0  }
0xa: {  	s0 =	srdreg.scid;
	v3 =	vsel vm13, $0x4080, v3;
	v4 =	vsel vm13, $0x8080, v4;
	v5 =	vsel vm13, $0xC080, v5  }
0xb: {  	s3 =	sand.u32 $0x1, s0;
	s0 =	stileid.u32;
	v0 =	vsel vm12, $0x100, v0;
	v3 =	vsel vm12, $0x4100, v3;
	v4 =	vsel vm12, $0x8100, v4  }
0xc: {  	s9 =	sand.u32 $0x1, s0;
	v5 =	vsel vm12, $0xC100, v5;
	v0 =	vsel vm11, $0x180, v0;
	v3 =	vsel vm11, $0x4180, v3  }
0xd: {  	s11 =	sshll.u32 s9, $0x6;
	v4 =	vsel vm11, $0x8180, v4;
	v5 =	vsel vm11, $0xC180, v5;
	v0 =	vsel vm10, $0x200, v0  }
0xe: {  	s14 =	sor.u32 $0x100, s11;
	s16 =	sor.u32 $0x110, s11;
	s17 =	sor.u32 $0x120, s11;
	v3 =	vsel vm10, $0x4200, v3;
	v4 =	vsel vm10, $0x8200, v4;
	v5 =	vsel vm10, $0xC200, v5  }
0xf: {  	s18 =	sor.u32 $0x130, s11;
	v6 =	vmov s14;
	v7 =	vmov s16;
	v8 =	vmov s17  }
0x10: {  	v9 =	vmov s18;
	v0 =	vsel vm9, $0x280, v0;
	v3 =	vsel vm9, $0x4280, v3  }
0x11: {  	s5 =	rddreg [dreg:$0x0];
	v4 =	vsel vm9, $0x8280, v4;
	v5 =	vsel vm9, $0xC280, v5;
	v0 =	vsel vm8, $0x300, v0  }
0x12: {  	s6 =	rddreg [dreg:$0x1];
	s2 =	simm.s32 $0x0;
	v3 =	vsel vm8, $0x4300, v3;
	v4 =	vsel vm8, $0x8300, v4;
	v5 =	vsel vm8, $0xC300, v5  }
0x13: {  	s7 =	simm.s32 $0x1;
	s12 =	simm.s32 $0x6400;
	s13 =	simm.s32 $0xA400;
	v0 =	vsel vm7, $0x380, v0;
	v3 =	vsel vm7, $0x4380, v3;
	v4 =	vsel vm7, $0x8380, v4  }
0x14: {  	s15 =	simm.s32 $0x12400;
	[smem:$0x7FF] =	sst s2;
	s1 =	sshll.u32 s3, $0x4;
	v5 =	vsel vm7, $0xC380, v5;
	v0 =	vsel vm6, $0x2000, v0;
	v3 =	vsel vm6, $0x6000, v3  }
0x15: {  	s3 =	ssub.s32 $0x2, s3;
	s4 =	sor.u32 s0, s1;
	p1 =	seq.s32 s9, $0x1;
	v4 =	vsel vm6, $0xA000, v4;
	v5 =	vsel vm6, $0xE000, v5;
	v0 =	vsel vm5, $0x2080, v0  }
0x16: {  	s1 =	rddreg [dreg:$0x2];
	_ =	strace $0x80000047;
	p0 =	seq.s32 s4, $0x0;
	v3 =	vsel vm5, $0x6080, v3;
	v4 =	vsel vm5, $0xA080, v4;
	v5 =	vsel vm5, $0xE080, v5  }
0x17: {  	s31 =	sshrl.u32 s3, $0x1;
	s8 =	sshrl.u32 s4, $0x1;
	p0 =	por !p0, !p1;
	v0 =	vsel vm4, $0x2100, v0;
	v3 =	vsel vm4, $0x6100, v3;
	v4 =	vsel vm4, $0xA100, v4  }
0x18: {  	s4 =	sshll.u32 s4, $0xD;
	s10 =	ssub.s32 s3, s31;
	p0 =	por !p0, !p0;
	v5 =	vsel vm4, $0xE100, v5;
	v0 =	vsel vm3, $0x2180, v0;
	v3 =	vsel vm3, $0x6180, v3  }
0x19: {  	s11 =	simm.s32 $0x8000;
	s3 =	sadd.s32 s6, s4;
	s7 =	simm.s32 @!p0 $0x0;
	v4 =	vsel vm3, $0xA180, v4;
	v5 =	vsel vm3, $0xE180, v5;
	v1 =	vsel vm2, $0x2200, v0  }
0x1a: {  	s4 =	simm.s32 $0x1;
	s9 =	smax.u32 s10, $0x1;
	s7 =	ssub.s32 s8, s7;
	v0 =	vimm.f32 $0.0e+00;
	v3 =	vsel vm2, $0x6200, v3;
	v4 =	vsel vm2, $0xA200, v4  }
0x1b: {  	s10 =	simm.s32 $0x400;
	s14 =	simm.s32 $0xE400;
	s7 =	sshll.u32 s7, $0x7;
	v5 =	vsel vm2, $0xE200, v5;
	v1 =	vsel vm1, $0x2280, v1;
	v3 =	vsel vm1, $0x6280, v3  }
0x1c: {  	s16 =	simm.s32 $0x0;
	s6 =	sadd.s32 $0x800, s3;
	s7 =	sand.u32 $0x1FFFFF80, s7;
	v4 =	vsel vm1, $0xA280, v4;
	v5 =	vsel vm1, $0xE280, v5;
	v1 =	vsel vm0, $0x2300, v1  }
0x1d: {  	s8 =	sadd.s32 $0x1800, s3;
	s5 =	sadd.s32 s5, s7;
	s7 =	sadd.s32 $0x1000, s3;
	v3 =	vsel vm0, $0x6300, v3;
	v4 =	vsel vm0, $0xA300, v4;
	v5 =	vsel vm0, $0xE300, v5  }
.LBB2_1:
0x1e: {  	[tilespmem:s2], [sflag:$0x1] =	stream.strided.gather [hbm4b:s5+s10], $0x6400, s11, s10, $0x38;
	[tilespmem:$0x16400] =	vst v63  }
0x1f: {  	s17 =	simm.s32 $0xFFFF0000  }
0x20: {  	s18 =	simm.s32 $0x0;
	s19 =	simm.s32 $0x0;
	s20 =	simm.s32 $0x0  }
.LBB2_2:
0x21: {  	s21 =	sadd.s32 $0x10000, s17  }
0x22: {  	s22 =	sand.u32 $0x380, s20;
	s21 =	sand.u32 $0xE000, s21  }
0x23: {  	s21 =	sor.u32 s22, s21  }
0x24: {  	[tilespmem:s21+$0x6400] =	vst v0  }
0x25: {  	[tilespmem:s21+$0x6410] =	vst v0  }
0x26: {  	[tilespmem:s21+$0x6420] =	vst v0  }
0x27: {  	[tilespmem:s21+$0x6430] =	vst v0  }
0x28: {  	[tilespmem:s21+$0x6440] =	vst v0  }
0x29: {  	[tilespmem:s21+$0x6450] =	vst v0  }
0x2a: {  	[tilespmem:s21+$0x6460] =	vst v0  }
0x2b: {  	[tilespmem:s21+$0x6470] =	vst v0  }
0x2c: {  	[tilespmem:s21+$0x6800] =	vst v0  }
0x2d: {  	[tilespmem:s21+$0x6810] =	vst v0  }
0x2e: {  	[tilespmem:s21+$0x6820] =	vst v0  }
0x2f: {  	[tilespmem:s21+$0x6830] =	vst v0  }
0x30: {  	[tilespmem:s21+$0x6840] =	vst v0  }
0x31: {  	[tilespmem:s21+$0x6850] =	vst v0  }
0x32: {  	[tilespmem:s21+$0x6860] =	vst v0  }
0x33: {  	[tilespmem:s21+$0x6870] =	vst v0  }
0x34: {  	[tilespmem:s21+$0x6C00] =	vst v0  }
0x35: {  	[tilespmem:s21+$0x6C10] =	vst v0  }
0x36: {  	[tilespmem:s21+$0x6C20] =	vst v0  }
0x37: {  	[tilespmem:s21+$0x6C30] =	vst v0  }
0x38: {  	[tilespmem:s21+$0x6C40] =	vst v0  }
0x39: {  	[tilespmem:s21+$0x6C50] =	vst v0  }
0x3a: {  	[tilespmem:s21+$0x6C60] =	vst v0  }
0x3b: {  	[tilespmem:s21+$0x6C70] =	vst v0  }
0x3c: {  	[tilespmem:s21+$0x7000] =	vst v0  }
0x3d: {  	[tilespmem:s21+$0x7010] =	vst v0  }
0x3e: {  	[tilespmem:s21+$0x7020] =	vst v0  }
0x3f: {  	[tilespmem:s21+$0x7030] =	vst v0  }
0x40: {  	[tilespmem:s21+$0x7040] =	vst v0  }
0x41: {  	[tilespmem:s21+$0x7050] =	vst v0  }
0x42: {  	[tilespmem:s21+$0x7060] =	vst v0  }
0x43: {  	[tilespmem:s21+$0x7070] =	vst v0  }
0x44: {  	[tilespmem:s21+$0x7400] =	vst v0  }
0x45: {  	[tilespmem:s21+$0x7410] =	vst v0  }
0x46: {  	[tilespmem:s21+$0x7420] =	vst v0  }
0x47: {  	[tilespmem:s21+$0x7430] =	vst v0  }
0x48: {  	[tilespmem:s21+$0x7440] =	vst v0  }
0x49: {  	[tilespmem:s21+$0x7450] =	vst v0  }
0x4a: {  	[tilespmem:s21+$0x7460] =	vst v0  }
0x4b: {  	[tilespmem:s21+$0x7470] =	vst v0  }
0x4c: {  	[tilespmem:s21+$0x7800] =	vst v0  }
0x4d: {  	[tilespmem:s21+$0x7810] =	vst v0  }
0x4e: {  	[tilespmem:s21+$0x7820] =	vst v0  }
0x4f: {  	[tilespmem:s21+$0x7830] =	vst v0  }
0x50: {  	[tilespmem:s21+$0x7840] =	vst v0  }
0x51: {  	[tilespmem:s21+$0x7850] =	vst v0  }
0x52: {  	[tilespmem:s21+$0x7860] =	vst v0  }
0x53: {  	[tilespmem:s21+$0x7870] =	vst v0  }
0x54: {  	[tilespmem:s21+$0x7C00] =	vst v0  }
0x55: {  	[tilespmem:s21+$0x7C10] =	vst v0  }
0x56: {  	[tilespmem:s21+$0x7C20] =	vst v0  }
0x57: {  	[tilespmem:s21+$0x7C30] =	vst v0  }
0x58: {  	s31 =	sand.u32 $0x7, s18;
	[tilespmem:s21+$0x7C40] =	vst v0  }
0x59: {  	s22 =	sshll.u32 s31, $0x7;
	[tilespmem:s21+$0x7C50] =	vst v0  }
0x5a: {  	s22 =	sadd.s32 s22, s19;
	[tilespmem:s21+$0x7C60] =	vst v0  }
0x5b: {  	[tilespmem:s21+$0x7C70] =	vst v0;
	s23 =	sor.u32 $0x1C00, s22  }
0x5c: {  	s24 =	sor.u32 $0x1C10, s22;
	[tilespmem:s23+$0x6400] =	vst v0  }
0x5d: {  	s25 =	sor.u32 $0x1C20, s22;
	[tilespmem:s24+$0x6400] =	vst v0  }
0x5e: {  	p0 =	sne.s32 s20, $0x1F80;
	s26 =	sor.u32 $0x1C30, s22;
	[tilespmem:s25+$0x6400] =	vst v0  }
.Ltmp0:
0x5f: {  	s28 =	sor.u32 $0x1C40, s22;
	[tilespmem:s26+$0x6400] =	vst v0;
	(pc) =	sbr.rel @p0 .LBB2_2-.Ltmp0, $4  }
0x60: {  	s29 =	sor.u32 $0x1C50, s22;
	[tilespmem:s28+$0x6400] =	vst v0  }
0x61: {  	s30 =	sor.u32 $0x1C60, s22;
	[tilespmem:s29+$0x6400] =	vst v0  }
0x62: {  	s18 =	sadd.s32 $0x1, s18;
	s31 =	sor.u32 $0x1C70, s22;
	[tilespmem:s30+$0x6400] =	vst v0  }
0x63: {  	s17 =	sadd.s32 $0x400, s17;
	s20 =	sadd.s32 $0x80, s20;
	s19 =	sadd.s32 $0x400, s19;
	[tilespmem:s31+$0x6400] =	vst v0  }
0x64: {  	_ =	swait.ge [sflag:s4], $0x6400  }
0x65: {  	[sflag:s4] =	ssyncset.done $0x0  }
0x66: {  	s17 =	simm.s32 $0x0;
	[sflag:s4] =	ssyncadd.s32 $0xFFFF9C00  }
.LBB2_4:
0x67: {  	s18 =	sshra.s32 s17, $0x2  }
0x68: {  	v10 =	vld.idx.msk [tilespmem:v6+s18+$0xFFFFFF00 ss:$0x1], $0xffff;
	_ =	sdelay $0x4  }
0x69: {  	v11 =	vshll.u32 v10, $0x3  }
0x6a: {  	v10 =	vand.u32 $0x7F, v10;
	v11 =	vand.u32 $0xFFFFFC00, v11  }
0x6b: {  	v10 =	vor.u32 v10, v11  }
0x6c: {  	v10 =	vadd.s32 v1, v10;
	_ =	sdelay $0x4  }
0x6d: {  	[tilespmem:v10+s12+$0x0] =	vst.idx.add.f32.msk $0xffff, v2  }
0x6e: {  	v10 =	vld.idx.msk [tilespmem:v6+s18+$0xFFFFFF80 ss:$0x1], $0xffff;
	_ =	sdelay $0x4  }
0x6f: {  	v11 =	vshll.u32 v10, $0x3  }
0x70: {  	v10 =	vand.u32 $0x7F, v10;
	v11 =	vand.u32 $0xFFFFFC00, v11  }
0x71: {  	v10 =	vor.u32 v10, v11  }
0x72: {  	v10 =	vadd.s32 v1, v10;
	_ =	sdelay $0x4  }
0x73: {  	[tilespmem:v10+s12+$0x0] =	vst.idx.add.f32.msk $0xffff, v2  }
0x74: {  	v10 =	vld.idx.msk [tilespmem:v6+s18+$0x0 ss:$0x1], $0xffff;
	_ =	sdelay $0x4  }
0x75: {  	v11 =	vshll.u32 v10, $0x3  }
0x76: {  	v10 =	vand.u32 $0x7F, v10;
	v11 =	vand.u32 $0xFFFFFC00, v11  }
0x77: {  	v10 =	vor.u32 v10, v11  }
0x78: {  	v10 =	vadd.s32 v1, v10;
	_ =	sdelay $0x4  }
0x79: {  	[tilespmem:v10+s12+$0x0] =	vst.idx.add.f32.msk $0xffff, v2  }
0x7a: {  	v10 =	vld.idx.msk [tilespmem:v6+s18+$0x80 ss:$0x1], $0xffff;
	_ =	sdelay $0x4  }
0x7b: {  	v11 =	vshll.u32 v10, $0x3  }
0x7c: {  	v10 =	vand.u32 $0x7F, v10;
	v11 =	vand.u32 $0xFFFFFC00, v11  }
0x7d: {  	v10 =	vor.u32 v10, v11  }
0x7e: {  	p0 =	sne.s32 s17, $0x18800;
	v10 =	vadd.s32 v1, v10  }
.Ltmp1:
0x7f: {  	_ = 	snop;
	(pc) =	sbr.rel @p0 .LBB2_4-.Ltmp1, $2  }
0x80: {  	_ =	sdelay $0x2  }
0x81: {  	s17 =	sadd.s32 $0x800, s17;
	[tilespmem:v10+s12+$0x0] =	vst.idx.add.f32.msk $0xffff, v2  }
0x82: {  	s17 =	simm.s32 $0x0  }
0x83: {  	[hbm4b:s3+s17] =	stream.linear.scatter [tilespmem:s12], [sflag:$0x1], $0x4000, $0x38;
	[tilespmem:$0x16400] =	vst v63  }
.LBB2_6:
0x84: {  	s18 =	sshra.s32 s17, $0x2  }
0x85: {  	v10 =	vld.idx.msk [tilespmem:v7+s18+$0xFFFFFF00 ss:$0x1], $0xffff;
	_ =	sdelay $0x4  }
0x86: {  	v11 =	vshll.u32 v10, $0x3  }
0x87: {  	v10 =	vand.u32 $0x7F, v10;
	v11 =	vand.u32 $0xFFFFFC00, v11  }
0x88: {  	v10 =	vor.u32 v10, v11  }
0x89: {  	v10 =	vadd.s32 v3, v10;
	_ =	sdelay $0x4  }
0x8a: {  	[tilespmem:v10+s12+$0x0] =	vst.idx.add.f32.msk $0xffff, v2  }
0x8b: {  	v10 =	vld.idx.msk [tilespmem:v7+s18+$0xFFFFFF80 ss:$0x1], $0xffff;
	_ =	sdelay $0x4  }
0x8c: {  	v11 =	vshll.u32 v10, $0x3  }
0x8d: {  	v10 =	vand.u32 $0x7F, v10;
	v11 =	vand.u32 $0xFFFFFC00, v11  }
0x8e: {  	v10 =	vor.u32 v10, v11  }
0x8f: {  	v10 =	vadd.s32 v3, v10;
	_ =	sdelay $0x4  }
0x90: {  	[tilespmem:v10+s12+$0x0] =	vst.idx.add.f32.msk $0xffff, v2  }
0x91: {  	v10 =	vld.idx.msk [tilespmem:v7+s18+$0x0 ss:$0x1], $0xffff;
	_ =	sdelay $0x4  }
0x92: {  	v11 =	vshll.u32 v10, $0x3  }
0x93: {  	v10 =	vand.u32 $0x7F, v10;
	v11 =	vand.u32 $0xFFFFFC00, v11  }
0x94: {  	v10 =	vor.u32 v10, v11  }
0x95: {  	v10 =	vadd.s32 v3, v10;
	_ =	sdelay $0x4  }
0x96: {  	[tilespmem:v10+s12+$0x0] =	vst.idx.add.f32.msk $0xffff, v2  }
0x97: {  	v10 =	vld.idx.msk [tilespmem:v7+s18+$0x80 ss:$0x1], $0xffff;
	_ =	sdelay $0x4  }
0x98: {  	v11 =	vshll.u32 v10, $0x3  }
0x99: {  	v10 =	vand.u32 $0x7F, v10;
	v11 =	vand.u32 $0xFFFFFC00, v11  }
0x9a: {  	v10 =	vor.u32 v10, v11  }
0x9b: {  	p0 =	sne.s32 s17, $0x18800;
	v10 =	vadd.s32 v3, v10  }
.Ltmp2:
0x9c: {  	_ = 	snop;
	(pc) =	sbr.rel @p0 .LBB2_6-.Ltmp2, $2  }
0x9d: {  	_ =	sdelay $0x2  }
0x9e: {  	s17 =	sadd.s32 $0x800, s17;
	[tilespmem:v10+s12+$0x0] =	vst.idx.add.f32.msk $0xffff, v2  }
0x9f: {  	s17 =	simm.s32 $0x0  }
0xa0: {  	[hbm4b:s6+s17] =	stream.linear.scatter [tilespmem:s13], [sflag:$0x1], $0x4000, $0x38;
	[tilespmem:$0x16400] =	vst v63  }
.LBB2_8:
0xa1: {  	s18 =	sshra.s32 s17, $0x2  }
0xa2: {  	v10 =	vld.idx.msk [tilespmem:v8+s18+$0xFFFFFF00 ss:$0x1], $0xffff;
	_ =	sdelay $0x4  }
0xa3: {  	v11 =	vshll.u32 v10, $0x3  }
0xa4: {  	v10 =	vand.u32 $0x7F, v10;
	v11 =	vand.u32 $0xFFFFFC00, v11  }
0xa5: {  	v10 =	vor.u32 v10, v11  }
0xa6: {  	v10 =	vadd.s32 v4, v10;
	_ =	sdelay $0x4  }
0xa7: {  	[tilespmem:v10+s12+$0x0] =	vst.idx.add.f32.msk $0xffff, v2  }
0xa8: {  	v10 =	vld.idx.msk [tilespmem:v8+s18+$0xFFFFFF80 ss:$0x1], $0xffff;
	_ =	sdelay $0x4  }
0xa9: {  	v11 =	vshll.u32 v10, $0x3  }
0xaa: {  	v10 =	vand.u32 $0x7F, v10;
	v11 =	vand.u32 $0xFFFFFC00, v11  }
0xab: {  	v10 =	vor.u32 v10, v11  }
0xac: {  	v10 =	vadd.s32 v4, v10;
	_ =	sdelay $0x4  }
0xad: {  	[tilespmem:v10+s12+$0x0] =	vst.idx.add.f32.msk $0xffff, v2  }
0xae: {  	v10 =	vld.idx.msk [tilespmem:v8+s18+$0x0 ss:$0x1], $0xffff;
	_ =	sdelay $0x4  }
0xaf: {  	v11 =	vshll.u32 v10, $0x3  }
0xb0: {  	v10 =	vand.u32 $0x7F, v10;
	v11 =	vand.u32 $0xFFFFFC00, v11  }
0xb1: {  	v10 =	vor.u32 v10, v11  }
0xb2: {  	v10 =	vadd.s32 v4, v10;
	_ =	sdelay $0x4  }
0xb3: {  	[tilespmem:v10+s12+$0x0] =	vst.idx.add.f32.msk $0xffff, v2  }
0xb4: {  	v10 =	vld.idx.msk [tilespmem:v8+s18+$0x80 ss:$0x1], $0xffff;
	_ =	sdelay $0x4  }
0xb5: {  	v11 =	vshll.u32 v10, $0x3  }
0xb6: {  	v10 =	vand.u32 $0x7F, v10;
	v11 =	vand.u32 $0xFFFFFC00, v11  }
0xb7: {  	v10 =	vor.u32 v10, v11  }
0xb8: {  	p0 =	sne.s32 s17, $0x18800;
	v10 =	vadd.s32 v4, v10  }
.Ltmp3:
0xb9: {  	_ = 	snop;
	(pc) =	sbr.rel @p0 .LBB2_8-.Ltmp3, $2  }
0xba: {  	_ =	sdelay $0x2  }
0xbb: {  	s17 =	sadd.s32 $0x800, s17;
	[tilespmem:v10+s12+$0x0] =	vst.idx.add.f32.msk $0xffff, v2  }
0xbc: {  	s17 =	simm.s32 $0x0  }
0xbd: {  	[hbm4b:s7+s17] =	stream.linear.scatter [tilespmem:s14], [sflag:$0x1], $0x4000, $0x38;
	[tilespmem:$0x16400] =	vst v63  }
.LBB2_10:
0xbe: {  	s18 =	sshra.s32 s17, $0x2  }
0xbf: {  	v10 =	vld.idx.msk [tilespmem:v9+s18+$0xFFFFFF00 ss:$0x1], $0xffff;
	_ =	sdelay $0x4  }
0xc0: {  	v11 =	vshll.u32 v10, $0x3  }
0xc1: {  	v10 =	vand.u32 $0x7F, v10;
	v11 =	vand.u32 $0xFFFFFC00, v11  }
0xc2: {  	v10 =	vor.u32 v10, v11  }
0xc3: {  	v10 =	vadd.s32 v5, v10;
	_ =	sdelay $0x4  }
0xc4: {  	[tilespmem:v10+s12+$0x0] =	vst.idx.add.f32.msk $0xffff, v2  }
0xc5: {  	v10 =	vld.idx.msk [tilespmem:v9+s18+$0xFFFFFF80 ss:$0x1], $0xffff;
	_ =	sdelay $0x4  }
0xc6: {  	v11 =	vshll.u32 v10, $0x3  }
0xc7: {  	v10 =	vand.u32 $0x7F, v10;
	v11 =	vand.u32 $0xFFFFFC00, v11  }
0xc8: {  	v10 =	vor.u32 v10, v11  }
0xc9: {  	v10 =	vadd.s32 v5, v10;
	_ =	sdelay $0x4  }
0xca: {  	[tilespmem:v10+s12+$0x0] =	vst.idx.add.f32.msk $0xffff, v2  }
0xcb: {  	v10 =	vld.idx.msk [tilespmem:v9+s18+$0x0 ss:$0x1], $0xffff;
	_ =	sdelay $0x4  }
0xcc: {  	v11 =	vshll.u32 v10, $0x3  }
0xcd: {  	v10 =	vand.u32 $0x7F, v10;
	v11 =	vand.u32 $0xFFFFFC00, v11  }
0xce: {  	v10 =	vor.u32 v10, v11  }
0xcf: {  	v10 =	vadd.s32 v5, v10;
	_ =	sdelay $0x4  }
0xd0: {  	[tilespmem:v10+s12+$0x0] =	vst.idx.add.f32.msk $0xffff, v2  }
0xd1: {  	v10 =	vld.idx.msk [tilespmem:v9+s18+$0x80 ss:$0x1], $0xffff;
	_ =	sdelay $0x4  }
0xd2: {  	v11 =	vshll.u32 v10, $0x3  }
0xd3: {  	v10 =	vand.u32 $0x7F, v10;
	v11 =	vand.u32 $0xFFFFFC00, v11  }
0xd4: {  	v10 =	vor.u32 v10, v11  }
0xd5: {  	p0 =	sne.s32 s17, $0x18800;
	v10 =	vadd.s32 v5, v10  }
.Ltmp4:
0xd6: {  	_ = 	snop;
	(pc) =	sbr.rel @p0 .LBB2_10-.Ltmp4, $2  }
0xd7: {  	_ =	sdelay $0x2  }
0xd8: {  	s17 =	sadd.s32 $0x800, s17;
	[tilespmem:v10+s12+$0x0] =	vst.idx.add.f32.msk $0xffff, v2  }
0xd9: {  	[hbm4b:s8+s2] =	stream.linear.scatter [tilespmem:s15], [sflag:$0x1], $0x4000, $0x38;
	[tilespmem:$0x16400] =	vst v63  }
0xda: {  	_ =	swait.ge [sflag:s4], $0x4000  }
0xdb: {  	[sflag:s4] =	ssyncset.done $0x0  }
0xdc: {  	[sflag:s4] =	ssyncadd.s32 $0xFFFFC000  }
0xdd: {  	_ =	swait.ge [sflag:s4], $0x4000  }
0xde: {  	[sflag:s4] =	ssyncset.done $0x0  }
0xdf: {  	s16 =	sadd.s32 $0x1, s16;
	[sflag:s4] =	ssyncadd.s32 $0xFFFFC000  }
0xe0: {  	p0 =	sne.s32 s16, s9;
	_ =	swait.ge [sflag:s4], $0x4000  }
.Ltmp5:
0xe1: {  	[sflag:s4] =	ssyncset.done $0x0;
	(pc) =	sbr.rel @p0 .LBB2_1-.Ltmp5, $4  }
0xe2: {  	[sflag:s4] =	ssyncadd.s32 $0xFFFFC000  }
0xe3: {  	_ =	swait.ge [sflag:s4], $0x4000  }
0xe4: {  	[sflag:s4] =	ssyncset.done $0x0  }
0xe5: {  	[sflag:s4] =	ssyncadd.s32 $0xFFFFC000  }
0xe6: {  	_ =	sfence.sel $0x180000  }
0xe7: {  	[bflag:$0x0] =	sbarrier.arrive $0xFFFF  }
0xe8: {  	p0 =	sne.s32 s0, $0x0;
	_ =	strace $0x90000047  }
0xe9: {  	s0 =	sadd.s32 @!p0 $0x100000, s1;
	[bflag:$0x2] =	sbarrier.arrive $0xFFFF  }
0xea: {  	[sflag:s0] =	ssyncadd.tile.s32 @!p0 $0x1;
	_ =	shalt  }
.Lfunc_end2:
_tile_overlayer_lowered:
.L_overlay_start_2:
0xeb: {  	(tag) =	ssettag $0x2  }
0xec: {  	s0 =	rddreg [dreg:$0x0];
	s2 =	stileid.u32  }
0xed: {  	s1 =	rddreg [dreg:$0x1];
	p0 =	sne.s32 s2, $0x0  }
0xee: {  	s3 =	rddreg [dreg:$0x2];
	[bflag:$0x3] =	sbarrier.arrive $0xFFFF;
	s2 =	simm.s32 @!p0 $0x1C02  }
0xef: {  	[timem:s3], [sflag:s2] =	dma.local @!p0 [hbm:s0], s1  }
0xf0: {  	s0 =	simm.s32 @!p0 $0x2  }
0xf1: {  	_ =	swait.ge @!p0 [sflag:s0], s1  }
0xf2: {  	s1 =	ssub.s32 @!p0 $0x0, s1;
	[sflag:s0] =	ssyncset.done @!p0 $0x0  }
0xf3: {  	[sflag:s0] =	ssyncadd.s32 @!p0 s1  }
0xf4: {  	[bflag:$0x3] =	sbarrier.arrive $0xFFFF  }
0xf5: {  	_ =	shalt  }

// kernel: kernel.9.cloned.1.call-start
scs
__scs_entry_jumppad:
0x0: {  	(pc) =	sbr.rel $0x88, $3  }
0x1: {  	(tag) =	ssettag $0x0;
	lr =	simm.s32 $0x1  }
0x2: {  	[smem:$0x3F9B] =	sst lr;
	_ =	strace $0xD0000000  }
0x3: {  	_ = 	snop  }
0x4: {  	_ = 	snop  }
0x5: {  	_ = 	snop  }
0x6: {  	_ = 	snop  }
0x7: {  	_ = 	snop  }
__scs_overlays_trampoline_lowered:
0x8: {  	[smem:$0x3FAA] =	sst s0  }
0x9: {  	[smem:$0x3FAB] =	sst s1  }
0xa: {  	[smem:$0x3FAC] =	sst s2  }
0xb: {  	[smem:$0x3FAD] =	sst s3  }
0xc: {  	[smem:$0x3FAE] =	sst s4  }
0xd: {  	[smem:$0x3FAF] =	sst s5  }
0xe: {  	[smem:$0x3FB0] =	sst s6  }
0xf: {  	[smem:$0x3FB1] =	sst s7  }
0x10: {  	[smem:$0x3FB2] =	sst s8  }
0x11: {  	[smem:$0x3FB3] =	sst s9;
	s0 =	simm.s32 @!p0 $0x0  }
0x12: {  	s1 =	sld [smem:$0x3F99];
	s0 =	simm.s32 @p0 $0x1  }
0x13: {  	[smem:$0x3FB4] =	sst s0;
	s0 =	simm.s32 @!p1 $0x0  }
0x14: {  	s2 =	sld [smem:$0x3F98];
	s0 =	simm.s32 @p1 $0x1  }
0x15: {  	[smem:$0x3FB5] =	sst s0;
	s0 =	simm.s32 @!p2 $0x0  }
0x16: {  	s3 =	sld [smem:$0x3FDB];
	s0 =	simm.s32 @p2 $0x1  }
0x17: {  	s4 =	simm.s32 $0x1BF5;
	[smem:$0x3FB7] =	sst s0  }
0x18: {  	s0 =	sld [smem:$0x3F9A];
	_ =	swait.ge [sflag:s4], $0x0  }
0x19: {  	s7 =	sld [smem:$0x3F9B]  }
0x1a: {  	s8 =	sadd.s32 $0xFFFFE003, lr  }
0x1b: {  	s9 =	sadd.s32 $0xFFFFFEF7, lr;
	s5 =	simm.s32 $0xFFFFFFFF;
	p2 =	slt.u32 s8, $0xFFFFF086  }
0x1c: {  	p1 =	slt.u32 s9, $0xF7A;
	s5 =	simm.s32 @!p2 $0x0  }
0x1d: {  	s5 =	simm.s32 @p1 $0x1;
	p0 =	seq.s32 s7, s2  }
0x1e: {  	s7 =	smul.u32 @!p0 $0xF7A, s2;
	p2 =	seq.s32 @!p0 s5, $0x0  }
0x1f: {  	s9 =	smul.u32 $0xF7A, s1;
	s8 =	simm.s32 @!p0 $0x1BF5;
	p2 =	por !p2, p0  }
0x20: {  	[sflag:s8] =	ssyncset.s32 @!p0 $0xFFFFF086;
	s6 =	sadd.s32 @!p0 s3, s7;
	s7 =	simm.s32 @!p0 $0x108  }
0x21: {  	s3 =	sadd.s32 s3, s9;
	s6 =	sadd.s32 @!p0 $0x88, s6;
	s7 =	simm.s32 @p2 $0x1082  }
0x22: {  	[simem:s7], [sflag:s8] =	dma.local @!p0 [hbm:s6], $0xF7A  }
0x23: {  	s9 =	sor.u32 $0xD0000000, s2;
	s6 =	simm.s32 $0x108;
	_ =	swait.ge @!p0 [sflag:s8], $0x0  }
0x24: {  	s3 =	sadd.s32 $0x88, s3;
	s6 =	simm.s32 @!p1 $0x1082;
	[sflag:s4] =	ssyncset.s32 $0xFFFFF086  }
0x25: {  	[simem:s6], [sflag:s4] =	dma.local [hbm:s3], $0xF7A  }
0x26: {  	[smem:$0x3F9B] =	sst s1;
	(tag) =	ssettag s2;
	_ =	strace s9  }
0x27: {  	s1 =	sld [smem:$0x3FAB]  }
0x28: {  	s2 =	sld [smem:$0x3FAC]  }
0x29: {  	s4 =	sld [smem:$0x3FAE]  }
0x2a: {  	p0 =	seq.s32 s5, $0x0;
	s5 =	sld [smem:$0x3FAF]  }
0x2b: {  	s6 =	sld [smem:$0x3FB0]  }
0x2c: {  	s7 =	sld [smem:$0x3FB1]  }
0x2d: {  	s3 =	simm.s32 $0x108;
	s8 =	sld [smem:$0x3FB2]  }
0x2e: {  	s3 =	simm.s32 @!p0 $0x1082;
	s9 =	sld [smem:$0x3FB3]  }
0x2f: {  	lr =	sadd.s32 s0, s3;
	s0 =	sld [smem:$0x3FAA]  }
0x30: {  	s3 =	sld [smem:$0x3FAD]  }
0x31: {  	[smem:$0x3FB6] =	sst s10  }
0x32: {  	s10 =	sld [smem:$0x3FB4];
	_ =	sdelay $0x3  }
0x33: {  	p0 =	seq.s32 s10, $0x1;
	s10 =	sld [smem:$0x3FB6];
	_ =	sdelay $0x3  }
0x34: {  	[smem:$0x3FB6] =	sst s10  }
0x35: {  	s10 =	sld [smem:$0x3FB5];
	_ =	sdelay $0x3  }
0x36: {  	p1 =	seq.s32 s10, $0x1;
	s10 =	sld [smem:$0x3FB6];
	_ =	sdelay $0x3  }
0x37: {  	[smem:$0x3FB6] =	sst s10  }
0x38: {  	s10 =	sld [smem:$0x3FB7]  }
0x39: {  	_ = 	snop;
	(pc) =	sbr.ind lr, $3  }
0x3a: {  	_ = 	snop  }
0x3b: {  	_ = 	snop  }
0x3c: {  	p2 =	seq.s32 s10, $0x1;
	s10 =	sld [smem:$0x3FB6]  }
0x3d: {  	_ =	shalt  }
0x3e: {  	_ =	shalt  }
0x3f: {  	_ =	shalt  }
0x40: {  	_ =	shalt  }
0x41: {  	_ =	shalt  }
0x42: {  	_ =	shalt  }
0x43: {  	_ =	shalt  }
0x44: {  	_ =	shalt  }
0x45: {  	_ =	shalt  }
0x46: {  	_ =	shalt  }
0x47: {  	_ =	shalt  }
0x48: {  	_ =	shalt  }
0x49: {  	_ =	shalt  }
0x4a: {  	_ =	shalt  }
0x4b: {  	_ =	shalt  }
0x4c: {  	_ =	shalt  }
0x4d: {  	_ =	shalt  }
0x4e: {  	_ =	shalt  }
0x4f: {  	_ =	shalt  }
0x50: {  	_ =	shalt  }
0x51: {  	_ =	shalt  }
0x52: {  	_ =	shalt  }
0x53: {  	_ =	shalt  }
0x54: {  	_ =	shalt  }
0x55: {  	_ =	shalt  }
0x56: {  	_ =	shalt  }
0x57: {  	_ =	shalt  }
0x58: {  	_ =	shalt  }
0x59: {  	_ =	shalt  }
0x5a: {  	_ =	shalt  }
0x5b: {  	_ =	shalt  }
0x5c: {  	_ =	shalt  }
0x5d: {  	_ =	shalt  }
0x5e: {  	_ =	shalt  }
0x5f: {  	_ =	shalt  }
0x60: {  	_ =	shalt  }
0x61: {  	_ =	shalt  }
0x62: {  	_ =	shalt  }
0x63: {  	_ =	shalt  }
0x64: {  	_ =	shalt  }
0x65: {  	_ =	shalt  }
0x66: {  	_ =	shalt  }
0x67: {  	_ =	shalt  }
0x68: {  	_ =	shalt  }
0x69: {  	_ =	shalt  }
0x6a: {  	_ =	shalt  }
0x6b: {  	_ =	shalt  }
0x6c: {  	_ =	shalt  }
0x6d: {  	_ =	shalt  }
0x6e: {  	_ =	shalt  }
0x6f: {  	_ =	shalt  }
0x70: {  	_ =	shalt  }
0x71: {  	_ =	shalt  }
0x72: {  	_ =	shalt  }
0x73: {  	_ =	shalt  }
0x74: {  	_ =	shalt  }
0x75: {  	_ =	shalt  }
0x76: {  	_ =	shalt  }
0x77: {  	_ =	shalt  }
0x78: {  	_ =	shalt  }
0x79: {  	_ =	shalt  }
0x7a: {  	_ =	shalt  }
0x7b: {  	_ =	shalt  }
0x7c: {  	_ =	shalt  }
0x7d: {  	_ =	shalt  }
0x7e: {  	_ =	shalt  }
0x7f: {  	_ =	shalt  }
0x80: {  	_ =	shalt  }
0x81: {  	_ =	shalt  }
0x82: {  	_ =	shalt  }
0x83: {  	_ =	shalt  }
0x84: {  	_ =	shalt  }
0x85: {  	_ =	shalt  }
0x86: {  	_ =	shalt  }
0x87: {  	_ =	shalt  }
.Lfunc_end0:
.L_simem_size_0:
called_computation.1_lowered:
.L_overlay_start_0:
0x88: {  	s2 =	sld [smem:$0x3FD9]  }
0x89: {  	s3 =	sld [smem:$0x3FFE];
	_ =	sdelay $0x1  }
0x8a: {  	s1 =	srdreg.scid  }
0x8b: {  	s0 =	sand.u32 $0x1, s1  }
0x8c: {  	s17 =	sshll.u32 s0, $0xA;
	s2 =	sadd.s32 s3, s2  }
0x8d: {  	s2 =	sadd.s32 s2, s17  }
0x8e: {  	[smem:$0x3FC2] =	sst s2  }
0x8f: {  	_ = 	snop  }
0x90: {  	s18 =	sld [smem:$0x3FC9];
	(tm) =	ssettm $0x1  }
0x91: {  	s19 =	sld [smem:$0x3FFB];
	_ =	sdelay $0x3  }
0x92: {  	_ =	strace s19  }
0x93: {  	s2 =	sld [smem:$0x3FFC];
	_ =	sdelay $0x3  }
0x94: {  	_ =	strace s2  }
0x95: {  	s2 =	sld [smem:$0x3FFD];
	_ =	sdelay $0x3  }
0x96: {  	_ =	strace s2  }
0x97: {  	_ =	strace $0x8FFFFFFF  }
0x98: {  	s20 =	sld [smem:$0x3FDB];
	_ =	sdelay $0x1  }
0x99: {  	s4 =	simm.s32 $_scs_section_size  }
0x9a: {  	s5 =	simm.s32 $_size__tile_overlayer_lowered;
	s6 =	simm.s32 $_tile_overlayer_lowered  }
0x9b: {  	s7 =	simm.s32 $0x1BFF;
	s21 =	sshll.u32 s6, $0x1;
	s4 =	sadd.s32 s4, s20  }
0x9c: {  	s22 =	simm.s32 $0x0;
	s5 =	sshll.u32 s5, $0x1;
	s6 =	sadd.s32 s21, s4  }
0x9d: {  	[timem:s22], [sflag:s7] =	dma.local [hbm:s6], s5  }
0x9e: {  	_ =	swait.ge [sflag:s7], s5  }
0x9f: {  	s5 =	ssub.s32 $0x0, s5;
	[sflag:s7] =	ssyncset.done $0x0  }
0xa0: {  	[sflag:s7] =	ssyncadd.s32 s5;
	_ =	sdelay $0x1  }
0xa1: {  	s23 =	simm.s32 $0x1B8B  }
0xa2: {  	_ =	swait.ge [sflag:s23], $0x1  }
0xa3: {  	[sflag:s23] =	ssyncset.done $0x0  }
0xa4: {  	[sflag:s23] =	ssyncadd.s32 $0xFFFFFFFF  }
0xa5: {  	s5 =	sld [smem:$0x0]  }
0xa6: {  	s6 =	sand.u32 $0xFFFFFFFE, s1  }
0xa7: {  	p0 =	sne.s32 s1, s6  }
0xa8: {  	s6 =	sshll.u32 @p0 s6, $0xE  }
0xa9: {  	s6 =	sadd.s32 @p0 $0x11B8D, s6;
	s7 =	sshll.u32 @p0 s5, $0x11  }
0xaa: {  	s6 =	sor.u32 @p0 s7, s6  }
0xab: {  	[sflag:s6] =	ssyncadd.remote.s32 @p0 $0x1;
	_ =	sdelay $0x1  }
0xac: {  	s6 =	simm.s32 @p0 $0x1B8D  }
0xad: {  	_ =	swait.eq @p0 [sflag:s6], $0x1  }
0xae: {  	[sflag:s6] =	ssyncadd.s32 @p0 $0xFFFFFFFF  }
0xaf: {  	s7 =	sshll.u32 @!p0 s1, $0xE  }
0xb0: {  	s7 =	sor.u32 @!p0 $0x4000, s7;
	s6 =	simm.s32 @!p0 $0x1B8D  }
0xb1: {  	s5 =	sshll.u32 @!p0 s5, $0x11;
	s7 =	sadd.s32 @!p0 $0x11B8D, s7;
	_ =	swait.eq @!p0 [sflag:s6], $0x1  }
0xb2: {  	s5 =	sor.u32 @!p0 s5, s7;
	[sflag:s6] =	ssyncadd.s32 @!p0 $0xFFFFFFFF  }
0xb3: {  	s25 =	simm.s32 $0x1B8E;
	s24 =	sld [smem:$0x3FFE];
	[sflag:s5] =	ssyncadd.remote.s32 @!p0 $0x1  }
0xb4: {  	s26 =	simm.s32 $execute0_lowered;
	[smem:$0x3FD2] =	sst s25  }
0xb5: {  	s6 =	sshll.u32 s26, $0x1;
	_ =	strace $0x80000049;
	[dreg:$0x1] =	wrdreg $0xFFFFFFFF  }
0xb6: {  	s28 =	simm.s32 $_size_execute0_lowered;
	s4 =	sadd.s32 s4, s6;
	[dreg:$0x0] =	wrdreg $0x0  }
0xb7: {  	s6 =	sshll.u32 s28, $0x1;
	[dreg:$0x2] =	wrdreg s4  }
0xb8: {  	[dreg:$0x3] =	wrdreg s6  }
0xb9: {  	[dreg:$0x4] =	wrdreg $0xC0  }
0xba: {  	_ =	task [dreg:s22], $0x5FFFF  }
0xbb: {  	[dreg:$0x1] =	wrdreg $0xFFFFFFFF  }
0xbc: {  	[dreg:$0x0] =	wrdreg $0x60  }
0xbd: {  	[dreg:$0x2] =	wrdreg s18  }
0xbe: {  	[dreg:$0x3] =	wrdreg s24  }
0xbf: {  	[dreg:$0x4] =	wrdreg $0xA  }
0xc0: {  	_ =	task.clear_ibuf [dreg:s22], $0x5FFFF;
	_ =	strace $0x90000049  }
0xc1: {  	s29 =	simm.s32 $0xA;
	_ =	strace $0x8000004B  }
0xc2: {  	_ =	swait.ge [sflag:s29], $0x1  }
0xc3: {  	[sflag:s29] =	ssyncadd.s32 $0xFFFFFFFF  }
0xc4: {  	_ =	strace $0x9000004B  }
0xc5: {  	_ =	sfence  }
0xc6: {  	s30 =	sld [smem:$0x0];
	_ =	sdelay $0x2  }
0xc7: {  	s31 =	sshll.u32 s1, $0xD;
	s1 =	sshrl.u32 s1, $0x2  }
0xc8: {  	s4 =	sand.u32 $0x4000, s31;
	s1 =	sadd.s32 s1, s30  }
0xc9: {  	s0 =	sor.u32 s4, s0;
	s1 =	sshll.u32 s1, $0x11  }
0xca: {  	s0 =	sor.u32 s1, s0  }
0xcb: {  	s0 =	sadd.s32 $0x8F2B, s0  }
0xcc: {  	[sflag:s0] =	ssyncadd.remote.s32 $0x1  }
0xcd: {  	_ =	sfence.sel $0xFFFF  }
0xce: {  	[dreg:$0x0] =	wrdreg $0xFFFFFFFF;
	(pc) =	sbr.abs _section_cstart, $3  }
0xcf: {  	[dreg:$0x1] =	wrdreg $0xFFFFFFFF  }
0xd0: {  	_ =	task.clear_ibuf [dreg:s22], $0x2FFFF;
	_ =	strace $0x9FFFFFFF  }
0xd1: {  	(tm) =	ssettm $0x7FFFFFFF  }
tec
execute0_lowered:
.L_overlay_start_1:
0x0: {  	(tag) =	ssettag $0x1  }
0x1: {  	v0 =	vimm.s32 $0x2380  }
0x2: {  	vm14 =	vcmask $0x300;
	vm13 =	vcmask $0x704;
	vm12 =	vcmask $0xB08  }
0x3: {  	vm11 =	vcmask $0xF0C;
	vm10 =	vcmask $0x1310;
	vm9 =	vcmask $0x1714  }
0x4: {  	vm8 =	vcmask $0x1B18;
	vm7 =	vcmask $0x1F1C;
	vm6 =	vcmask $0x2320  }
0x5: {  	vm5 =	vcmask $0x2724;
	vm4 =	vcmask $0x2B28;
	vm3 =	vcmask $0x2F2C  }
0x6: {  	vm2 =	vcmask $0x3330;
	vm1 =	vcmask $0x3734;
	vm0 =	vcmask $0x3B38  }
0x7: {  	v2 =	vimm.f32 $1.000000000e+00;
	v3 =	vimm.s32 $0x6380;
	v4 =	vimm.s32 $0xA380  }
0x8: {  	v5 =	vimm.s32 $0xE380;
	v0 =	vsel vm14, $0x0, v0;
	v3 =	vsel vm14, $0x4000, v3  }
0x9: {  	v4 =	vsel vm14, $0x8000, v4;
	v5 =	vsel vm14, $0xC000, v5;
	v0 =	vsel vm13, $0x80, v0  }
0xa: {  	s0 =	srdreg.scid;
	v3 =	vsel vm13, $0x4080, v3;
	v4 =	vsel vm13, $0x8080, v4;
	v5 =	vsel vm13, $0xC080, v5  }
0xb: {  	s3 =	sand.u32 $0x1, s0;
	s0 =	stileid.u32;
	v0 =	vsel vm12, $0x100, v0;
	v3 =	vsel vm12, $0x4100, v3;
	v4 =	vsel vm12, $0x8100, v4  }
0xc: {  	s9 =	sand.u32 $0x1, s0;
	v5 =	vsel vm12, $0xC100, v5;
	v0 =	vsel vm11, $0x180, v0;
	v3 =	vsel vm11, $0x4180, v3  }
0xd: {  	s11 =	sshll.u32 s9, $0x6;
	v4 =	vsel vm11, $0x8180, v4;
	v5 =	vsel vm11, $0xC180, v5;
	v0 =	vsel vm10, $0x200, v0  }
0xe: {  	s14 =	sor.u32 $0x100, s11;
	s16 =	sor.u32 $0x110, s11;
	s17 =	sor.u32 $0x120, s11;
	v3 =	vsel vm10, $0x4200, v3;
	v4 =	vsel vm10, $0x8200, v4;
	v5 =	vsel vm10, $0xC200, v5  }
0xf: {  	s18 =	sor.u32 $0x130, s11;
	v6 =	vmov s14;
	v7 =	vmov s16;
	v8 =	vmov s17  }
0x10: {  	s4 =	rddreg [dreg:$0x0];
	v9 =	vmov s18;
	v0 =	vsel vm9, $0x280, v0;
	v3 =	vsel vm9, $0x4280, v3  }
0x11: {  	s6 =	rddreg [dreg:$0x1];
	v4 =	vsel vm9, $0x8280, v4;
	v5 =	vsel vm9, $0xC280, v5;
	v0 =	vsel vm8, $0x300, v0  }
0x12: {  	s2 =	simm.s32 $0x0;
	s7 =	simm.s32 $0x1;
	s12 =	simm.s32 $0x6400;
	v3 =	vsel vm8, $0x4300, v3;
	v4 =	vsel vm8, $0x8300, v4;
	v5 =	vsel vm8, $0xC300, v5  }
0x13: {  	s13 =	simm.s32 $0xA400;
	s15 =	simm.s32 $0x12400;
	s1 =	sshll.u32 s3, $0x4;
	v0 =	vsel vm7, $0x380, v0;
	v3 =	vsel vm7, $0x4380, v3;
	v4 =	vsel vm7, $0x8380, v4  }
0x14: {  	[smem:$0x7FF] =	sst s2;
	s3 =	ssub.s32 $0x2, s3;
	s5 =	sor.u32 s0, s1;
	v5 =	vsel vm7, $0xC380, v5;
	v0 =	vsel vm6, $0x2000, v0;
	v3 =	vsel vm6, $0x6000, v3  }
0x15: {  	p1 =	seq.s32 s9, $0x1;
	s1 =	rddreg [dreg:$0x2];
	p0 =	seq.s32 s5, $0x0;
	v4 =	vsel vm6, $0xA000, v4;
	v5 =	vsel vm6, $0xE000, v5;
	v0 =	vsel vm5, $0x2080, v0  }
0x16: {  	_ =	strace $0x8000004A;
	s29 =	sshrl.u32 s3, $0x1;
	p0 =	por !p0, !p1;
	v3 =	vsel vm5, $0x6080, v3;
	v4 =	vsel vm5, $0xA080, v4;
	v5 =	vsel vm5, $0xE080, v5  }
0x17: {  	s8 =	sshrl.u32 s5, $0x1;
	s5 =	sshll.u32 s5, $0xD;
	p0 =	por !p0, !p0;
	v0 =	vsel vm4, $0x2100, v0;
	v3 =	vsel vm4, $0x6100, v3;
	v4 =	vsel vm4, $0xA100, v4  }
0x18: {  	s10 =	ssub.s32 s3, s29;
	s3 =	simm.s32 $0x1;
	s7 =	simm.s32 @!p0 $0x0;
	v5 =	vsel vm4, $0xE100, v5;
	v0 =	vsel vm3, $0x2180, v0;
	v3 =	vsel vm3, $0x6180, v3  }
0x19: {  	s11 =	simm.s32 $0x8000;
	s28 =	sadd.s32 s5, s6;
	s7 =	ssub.s32 s8, s7;
	v4 =	vsel vm3, $0xA180, v4;
	v5 =	vsel vm3, $0xE180, v5;
	v1 =	vsel vm2, $0x2200, v0  }
0x1a: {  	s9 =	smax.u32 s10, $0x1;
	s10 =	simm.s32 $0x400;
	s7 =	sshll.u32 s7, $0xA;
	v0 =	vimm.f32 $0.0e+00;
	v3 =	vsel vm2, $0x6200, v3;
	v4 =	vsel vm2, $0xA200, v4  }
0x1b: {  	s14 =	simm.s32 $0xE400;
	s16 =	simm.s32 $0x0;
	s30 =	sadd.s32 $0x4000, s7;
	v5 =	vsel vm2, $0xE200, v5;
	v1 =	vsel vm1, $0x2280, v1;
	v3 =	vsel vm1, $0x6280, v3  }
0x1c: {  	s5 =	sadd.s32 $0x1600, s28;
	s6 =	sadd.s32 $0x1E00, s28;
	s31 =	sshrl.u32 s30, $0x3;
	v4 =	vsel vm1, $0xA280, v4;
	v5 =	vsel vm1, $0xE280, v5;
	v1 =	vsel vm0, $0x2300, v1  }
0x1d: {  	s8 =	sadd.s32 $0x2E00, s28;
	s7 =	sadd.s32 $0x2600, s28;
	s4 =	sadd.s32 s4, s31;
	v3 =	vsel vm0, $0x6300, v3;
	v4 =	vsel vm0, $0xA300, v4;
	v5 =	vsel vm0, $0xE300, v5  }
.LBB2_1:
0x1e: {  	[tilespmem:s2], [sflag:$0x1] =	stream.strided.gather [hbm4b:s4+s10], $0x6400, s11, s10, $0x38;
	[tilespmem:$0x16400] =	vst v63  }
0x1f: {  	s17 =	simm.s32 $0xFFFF0000  }
0x20: {  	s18 =	simm.s32 $0x0;
	s19 =	simm.s32 $0x0;
	s20 =	simm.s32 $0x0  }
.LBB2_2:
0x21: {  	s21 =	sadd.s32 $0x10000, s17  }
0x22: {  	s22 =	sand.u32 $0x380, s20;
	s21 =	sand.u32 $0xE000, s21  }
0x23: {  	s21 =	sor.u32 s22, s21  }
0x24: {  	[tilespmem:s21+$0x6400] =	vst v0  }
0x25: {  	[tilespmem:s21+$0x6410] =	vst v0  }
0x26: {  	[tilespmem:s21+$0x6420] =	vst v0  }
0x27: {  	[tilespmem:s21+$0x6430] =	vst v0  }
0x28: {  	[tilespmem:s21+$0x6440] =	vst v0  }
0x29: {  	[tilespmem:s21+$0x6450] =	vst v0  }
0x2a: {  	[tilespmem:s21+$0x6460] =	vst v0  }
0x2b: {  	[tilespmem:s21+$0x6470] =	vst v0  }
0x2c: {  	[tilespmem:s21+$0x6800] =	vst v0  }
0x2d: {  	[tilespmem:s21+$0x6810] =	vst v0  }
0x2e: {  	[tilespmem:s21+$0x6820] =	vst v0  }
0x2f: {  	[tilespmem:s21+$0x6830] =	vst v0  }
0x30: {  	[tilespmem:s21+$0x6840] =	vst v0  }
0x31: {  	[tilespmem:s21+$0x6850] =	vst v0  }
0x32: {  	[tilespmem:s21+$0x6860] =	vst v0  }
0x33: {  	[tilespmem:s21+$0x6870] =	vst v0  }
0x34: {  	[tilespmem:s21+$0x6C00] =	vst v0  }
0x35: {  	[tilespmem:s21+$0x6C10] =	vst v0  }
0x36: {  	[tilespmem:s21+$0x6C20] =	vst v0  }
0x37: {  	[tilespmem:s21+$0x6C30] =	vst v0  }
0x38: {  	[tilespmem:s21+$0x6C40] =	vst v0  }
0x39: {  	[tilespmem:s21+$0x6C50] =	vst v0  }
0x3a: {  	[tilespmem:s21+$0x6C60] =	vst v0  }
0x3b: {  	[tilespmem:s21+$0x6C70] =	vst v0  }
0x3c: {  	[tilespmem:s21+$0x7000] =	vst v0  }
0x3d: {  	[tilespmem:s21+$0x7010] =	vst v0  }
0x3e: {  	[tilespmem:s21+$0x7020] =	vst v0  }
0x3f: {  	[tilespmem:s21+$0x7030] =	vst v0  }
0x40: {  	[tilespmem:s21+$0x7040] =	vst v0  }
0x41: {  	[tilespmem:s21+$0x7050] =	vst v0  }
0x42: {  	[tilespmem:s21+$0x7060] =	vst v0  }
0x43: {  	[tilespmem:s21+$0x7070] =	vst v0  }
0x44: {  	[tilespmem:s21+$0x7400] =	vst v0  }
0x45: {  	[tilespmem:s21+$0x7410] =	vst v0  }
0x46: {  	[tilespmem:s21+$0x7420] =	vst v0  }
0x47: {  	[tilespmem:s21+$0x7430] =	vst v0  }
0x48: {  	[tilespmem:s21+$0x7440] =	vst v0  }
0x49: {  	[tilespmem:s21+$0x7450] =	vst v0  }
0x4a: {  	[tilespmem:s21+$0x7460] =	vst v0  }
0x4b: {  	[tilespmem:s21+$0x7470] =	vst v0  }
0x4c: {  	[tilespmem:s21+$0x7800] =	vst v0  }
0x4d: {  	[tilespmem:s21+$0x7810] =	vst v0  }
0x4e: {  	[tilespmem:s21+$0x7820] =	vst v0  }
0x4f: {  	[tilespmem:s21+$0x7830] =	vst v0  }
0x50: {  	[tilespmem:s21+$0x7840] =	vst v0  }
0x51: {  	[tilespmem:s21+$0x7850] =	vst v0  }
0x52: {  	[tilespmem:s21+$0x7860] =	vst v0  }
0x53: {  	[tilespmem:s21+$0x7870] =	vst v0  }
0x54: {  	[tilespmem:s21+$0x7C00] =	vst v0  }
0x55: {  	[tilespmem:s21+$0x7C10] =	vst v0  }
0x56: {  	[tilespmem:s21+$0x7C20] =	vst v0  }
0x57: {  	[tilespmem:s21+$0x7C30] =	vst v0  }
0x58: {  	s31 =	sand.u32 $0x7, s18;
	[tilespmem:s21+$0x7C40] =	vst v0  }
0x59: {  	s22 =	sshll.u32 s31, $0x7;
	[tilespmem:s21+$0x7C50] =	vst v0  }
0x5a: {  	s22 =	sadd.s32 s22, s19;
	[tilespmem:s21+$0x7C60] =	vst v0  }
0x5b: {  	[tilespmem:s21+$0x7C70] =	vst v0;
	s23 =	sor.u32 $0x1C00, s22  }
0x5c: {  	s24 =	sor.u32 $0x1C10, s22;
	[tilespmem:s23+$0x6400] =	vst v0  }
0x5d: {  	s25 =	sor.u32 $0x1C20, s22;
	[tilespmem:s24+$0x6400] =	vst v0  }
0x5e: {  	p0 =	sne.s32 s20, $0x1F80;
	s26 =	sor.u32 $0x1C30, s22;
	[tilespmem:s25+$0x6400] =	vst v0  }
.Ltmp0:
0x5f: {  	s28 =	sor.u32 $0x1C40, s22;
	[tilespmem:s26+$0x6400] =	vst v0;
	(pc) =	sbr.rel @p0 .LBB2_2-.Ltmp0, $4  }
0x60: {  	s29 =	sor.u32 $0x1C50, s22;
	[tilespmem:s28+$0x6400] =	vst v0  }
0x61: {  	s30 =	sor.u32 $0x1C60, s22;
	[tilespmem:s29+$0x6400] =	vst v0  }
0x62: {  	s18 =	sadd.s32 $0x1, s18;
	s31 =	sor.u32 $0x1C70, s22;
	[tilespmem:s30+$0x6400] =	vst v0  }
0x63: {  	s17 =	sadd.s32 $0x400, s17;
	s20 =	sadd.s32 $0x80, s20;
	s19 =	sadd.s32 $0x400, s19;
	[tilespmem:s31+$0x6400] =	vst v0  }
0x64: {  	_ =	swait.ge [sflag:s3], $0x6400  }
0x65: {  	[sflag:s3] =	ssyncset.done $0x0  }
0x66: {  	s17 =	simm.s32 $0x0;
	[sflag:s3] =	ssyncadd.s32 $0xFFFF9C00  }
.LBB2_4:
0x67: {  	s18 =	sshra.s32 s17, $0x2  }
0x68: {  	v10 =	vld.idx.msk [tilespmem:v6+s18+$0xFFFFFF00 ss:$0x1], $0xffff;
	_ =	sdelay $0x4  }
0x69: {  	v11 =	vshll.u32 v10, $0x3  }
0x6a: {  	v10 =	vand.u32 $0x7F, v10;
	v11 =	vand.u32 $0xFFFFFC00, v11  }
0x6b: {  	v10 =	vor.u32 v10, v11  }
0x6c: {  	v10 =	vadd.s32 v1, v10;
	_ =	sdelay $0x4  }
0x6d: {  	[tilespmem:v10+s12+$0x0] =	vst.idx.add.f32.msk $0xffff, v2  }
0x6e: {  	v10 =	vld.idx.msk [tilespmem:v6+s18+$0xFFFFFF80 ss:$0x1], $0xffff;
	_ =	sdelay $0x4  }
0x6f: {  	v11 =	vshll.u32 v10, $0x3  }
0x70: {  	v10 =	vand.u32 $0x7F, v10;
	v11 =	vand.u32 $0xFFFFFC00, v11  }
0x71: {  	v10 =	vor.u32 v10, v11  }
0x72: {  	v10 =	vadd.s32 v1, v10;
	_ =	sdelay $0x4  }
0x73: {  	[tilespmem:v10+s12+$0x0] =	vst.idx.add.f32.msk $0xffff, v2  }
0x74: {  	v10 =	vld.idx.msk [tilespmem:v6+s18+$0x0 ss:$0x1], $0xffff;
	_ =	sdelay $0x4  }
0x75: {  	v11 =	vshll.u32 v10, $0x3  }
0x76: {  	v10 =	vand.u32 $0x7F, v10;
	v11 =	vand.u32 $0xFFFFFC00, v11  }
0x77: {  	v10 =	vor.u32 v10, v11  }
0x78: {  	v10 =	vadd.s32 v1, v10;
	_ =	sdelay $0x4  }
0x79: {  	[tilespmem:v10+s12+$0x0] =	vst.idx.add.f32.msk $0xffff, v2  }
0x7a: {  	v10 =	vld.idx.msk [tilespmem:v6+s18+$0x80 ss:$0x1], $0xffff;
	_ =	sdelay $0x4  }
0x7b: {  	v11 =	vshll.u32 v10, $0x3  }
0x7c: {  	v10 =	vand.u32 $0x7F, v10;
	v11 =	vand.u32 $0xFFFFFC00, v11  }
0x7d: {  	v10 =	vor.u32 v10, v11  }
0x7e: {  	p0 =	sne.s32 s17, $0x18800;
	v10 =	vadd.s32 v1, v10  }
.Ltmp1:
0x7f: {  	_ = 	snop;
	(pc) =	sbr.rel @p0 .LBB2_4-.Ltmp1, $2  }
0x80: {  	_ =	sdelay $0x2  }
0x81: {  	s17 =	sadd.s32 $0x800, s17;
	[tilespmem:v10+s12+$0x0] =	vst.idx.add.f32.msk $0xffff, v2  }
0x82: {  	s17 =	simm.s32 $0x0  }
0x83: {  	[hbm4b:s5+s17] =	stream.linear.scatter [tilespmem:s12], [sflag:$0x1], $0x4000, $0x38;
	[tilespmem:$0x16400] =	vst v63  }
.LBB2_6:
0x84: {  	s18 =	sshra.s32 s17, $0x2  }
0x85: {  	v10 =	vld.idx.msk [tilespmem:v7+s18+$0xFFFFFF00 ss:$0x1], $0xffff;
	_ =	sdelay $0x4  }
0x86: {  	v11 =	vshll.u32 v10, $0x3  }
0x87: {  	v10 =	vand.u32 $0x7F, v10;
	v11 =	vand.u32 $0xFFFFFC00, v11  }
0x88: {  	v10 =	vor.u32 v10, v11  }
0x89: {  	v10 =	vadd.s32 v3, v10;
	_ =	sdelay $0x4  }
0x8a: {  	[tilespmem:v10+s12+$0x0] =	vst.idx.add.f32.msk $0xffff, v2  }
0x8b: {  	v10 =	vld.idx.msk [tilespmem:v7+s18+$0xFFFFFF80 ss:$0x1], $0xffff;
	_ =	sdelay $0x4  }
0x8c: {  	v11 =	vshll.u32 v10, $0x3  }
0x8d: {  	v10 =	vand.u32 $0x7F, v10;
	v11 =	vand.u32 $0xFFFFFC00, v11  }
0x8e: {  	v10 =	vor.u32 v10, v11  }
0x8f: {  	v10 =	vadd.s32 v3, v10;
	_ =	sdelay $0x4  }
0x90: {  	[tilespmem:v10+s12+$0x0] =	vst.idx.add.f32.msk $0xffff, v2  }
0x91: {  	v10 =	vld.idx.msk [tilespmem:v7+s18+$0x0 ss:$0x1], $0xffff;
	_ =	sdelay $0x4  }
0x92: {  	v11 =	vshll.u32 v10, $0x3  }
0x93: {  	v10 =	vand.u32 $0x7F, v10;
	v11 =	vand.u32 $0xFFFFFC00, v11  }
0x94: {  	v10 =	vor.u32 v10, v11  }
0x95: {  	v10 =	vadd.s32 v3, v10;
	_ =	sdelay $0x4  }
0x96: {  	[tilespmem:v10+s12+$0x0] =	vst.idx.add.f32.msk $0xffff, v2  }
0x97: {  	v10 =	vld.idx.msk [tilespmem:v7+s18+$0x80 ss:$0x1], $0xffff;
	_ =	sdelay $0x4  }
0x98: {  	v11 =	vshll.u32 v10, $0x3  }
0x99: {  	v10 =	vand.u32 $0x7F, v10;
	v11 =	vand.u32 $0xFFFFFC00, v11  }
0x9a: {  	v10 =	vor.u32 v10, v11  }
0x9b: {  	p0 =	sne.s32 s17, $0x18800;
	v10 =	vadd.s32 v3, v10  }
.Ltmp2:
0x9c: {  	_ = 	snop;
	(pc) =	sbr.rel @p0 .LBB2_6-.Ltmp2, $2  }
0x9d: {  	_ =	sdelay $0x2  }
0x9e: {  	s17 =	sadd.s32 $0x800, s17;
	[tilespmem:v10+s12+$0x0] =	vst.idx.add.f32.msk $0xffff, v2  }
0x9f: {  	s17 =	simm.s32 $0x0  }
0xa0: {  	[hbm4b:s6+s17] =	stream.linear.scatter [tilespmem:s13], [sflag:$0x1], $0x4000, $0x38;
	[tilespmem:$0x16400] =	vst v63  }
.LBB2_8:
0xa1: {  	s18 =	sshra.s32 s17, $0x2  }
0xa2: {  	v10 =	vld.idx.msk [tilespmem:v8+s18+$0xFFFFFF00 ss:$0x1], $0xffff;
	_ =	sdelay $0x4  }
0xa3: {  	v11 =	vshll.u32 v10, $0x3  }
0xa4: {  	v10 =	vand.u32 $0x7F, v10;
	v11 =	vand.u32 $0xFFFFFC00, v11  }
0xa5: {  	v10 =	vor.u32 v10, v11  }
0xa6: {  	v10 =	vadd.s32 v4, v10;
	_ =	sdelay $0x4  }
0xa7: {  	[tilespmem:v10+s12+$0x0] =	vst.idx.add.f32.msk $0xffff, v2  }
0xa8: {  	v10 =	vld.idx.msk [tilespmem:v8+s18+$0xFFFFFF80 ss:$0x1], $0xffff;
	_ =	sdelay $0x4  }
0xa9: {  	v11 =	vshll.u32 v10, $0x3  }
0xaa: {  	v10 =	vand.u32 $0x7F, v10;
	v11 =	vand.u32 $0xFFFFFC00, v11  }
0xab: {  	v10 =	vor.u32 v10, v11  }
0xac: {  	v10 =	vadd.s32 v4, v10;
	_ =	sdelay $0x4  }
0xad: {  	[tilespmem:v10+s12+$0x0] =	vst.idx.add.f32.msk $0xffff, v2  }
0xae: {  	v10 =	vld.idx.msk [tilespmem:v8+s18+$0x0 ss:$0x1], $0xffff;
	_ =	sdelay $0x4  }
0xaf: {  	v11 =	vshll.u32 v10, $0x3  }
0xb0: {  	v10 =	vand.u32 $0x7F, v10;
	v11 =	vand.u32 $0xFFFFFC00, v11  }
0xb1: {  	v10 =	vor.u32 v10, v11  }
0xb2: {  	v10 =	vadd.s32 v4, v10;
	_ =	sdelay $0x4  }
0xb3: {  	[tilespmem:v10+s12+$0x0] =	vst.idx.add.f32.msk $0xffff, v2  }
0xb4: {  	v10 =	vld.idx.msk [tilespmem:v8+s18+$0x80 ss:$0x1], $0xffff;
	_ =	sdelay $0x4  }
0xb5: {  	v11 =	vshll.u32 v10, $0x3  }
0xb6: {  	v10 =	vand.u32 $0x7F, v10;
	v11 =	vand.u32 $0xFFFFFC00, v11  }
0xb7: {  	v10 =	vor.u32 v10, v11  }
0xb8: {  	p0 =	sne.s32 s17, $0x18800;
	v10 =	vadd.s32 v4, v10  }
.Ltmp3:
0xb9: {  	_ = 	snop;
	(pc) =	sbr.rel @p0 .LBB2_8-.Ltmp3, $2  }
0xba: {  	_ =	sdelay $0x2  }
0xbb: {  	s17 =	sadd.s32 $0x800, s17;
	[tilespmem:v10+s12+$0x0] =	vst.idx.add.f32.msk $0xffff, v2  }
0xbc: {  	s17 =	simm.s32 $0x0  }
0xbd: {  	[hbm4b:s7+s17] =	stream.linear.scatter [tilespmem:s14], [sflag:$0x1], $0x4000, $0x38;
	[tilespmem:$0x16400] =	vst v63  }
.LBB2_10:
0xbe: {  	s18 =	sshra.s32 s17, $0x2  }
0xbf: {  	v10 =	vld.idx.msk [tilespmem:v9+s18+$0xFFFFFF00 ss:$0x1], $0xffff;
	_ =	sdelay $0x4  }
0xc0: {  	v11 =	vshll.u32 v10, $0x3  }
0xc1: {  	v10 =	vand.u32 $0x7F, v10;
	v11 =	vand.u32 $0xFFFFFC00, v11  }
0xc2: {  	v10 =	vor.u32 v10, v11  }
0xc3: {  	v10 =	vadd.s32 v5, v10;
	_ =	sdelay $0x4  }
0xc4: {  	[tilespmem:v10+s12+$0x0] =	vst.idx.add.f32.msk $0xffff, v2  }
0xc5: {  	v10 =	vld.idx.msk [tilespmem:v9+s18+$0xFFFFFF80 ss:$0x1], $0xffff;
	_ =	sdelay $0x4  }
0xc6: {  	v11 =	vshll.u32 v10, $0x3  }
0xc7: {  	v10 =	vand.u32 $0x7F, v10;
	v11 =	vand.u32 $0xFFFFFC00, v11  }
0xc8: {  	v10 =	vor.u32 v10, v11  }
0xc9: {  	v10 =	vadd.s32 v5, v10;
	_ =	sdelay $0x4  }
0xca: {  	[tilespmem:v10+s12+$0x0] =	vst.idx.add.f32.msk $0xffff, v2  }
0xcb: {  	v10 =	vld.idx.msk [tilespmem:v9+s18+$0x0 ss:$0x1], $0xffff;
	_ =	sdelay $0x4  }
0xcc: {  	v11 =	vshll.u32 v10, $0x3  }
0xcd: {  	v10 =	vand.u32 $0x7F, v10;
	v11 =	vand.u32 $0xFFFFFC00, v11  }
0xce: {  	v10 =	vor.u32 v10, v11  }
0xcf: {  	v10 =	vadd.s32 v5, v10;
	_ =	sdelay $0x4  }
0xd0: {  	[tilespmem:v10+s12+$0x0] =	vst.idx.add.f32.msk $0xffff, v2  }
0xd1: {  	v10 =	vld.idx.msk [tilespmem:v9+s18+$0x80 ss:$0x1], $0xffff;
	_ =	sdelay $0x4  }
0xd2: {  	v11 =	vshll.u32 v10, $0x3  }
0xd3: {  	v10 =	vand.u32 $0x7F, v10;
	v11 =	vand.u32 $0xFFFFFC00, v11  }
0xd4: {  	v10 =	vor.u32 v10, v11  }
0xd5: {  	p0 =	sne.s32 s17, $0x18800;
	v10 =	vadd.s32 v5, v10  }
.Ltmp4:
0xd6: {  	_ = 	snop;
	(pc) =	sbr.rel @p0 .LBB2_10-.Ltmp4, $2  }
0xd7: {  	_ =	sdelay $0x2  }
0xd8: {  	s17 =	sadd.s32 $0x800, s17;
	[tilespmem:v10+s12+$0x0] =	vst.idx.add.f32.msk $0xffff, v2  }
0xd9: {  	[hbm4b:s8+s2] =	stream.linear.scatter [tilespmem:s15], [sflag:$0x1], $0x4000, $0x38;
	[tilespmem:$0x16400] =	vst v63  }
0xda: {  	_ =	swait.ge [sflag:s3], $0x4000  }
0xdb: {  	[sflag:s3] =	ssyncset.done $0x0  }
0xdc: {  	[sflag:s3] =	ssyncadd.s32 $0xFFFFC000  }
0xdd: {  	_ =	swait.ge [sflag:s3], $0x4000  }
0xde: {  	[sflag:s3] =	ssyncset.done $0x0  }
0xdf: {  	s16 =	sadd.s32 $0x1, s16;
	[sflag:s3] =	ssyncadd.s32 $0xFFFFC000  }
0xe0: {  	p0 =	sne.s32 s16, s9;
	_ =	swait.ge [sflag:s3], $0x4000  }
.Ltmp5:
0xe1: {  	[sflag:s3] =	ssyncset.done $0x0;
	(pc) =	sbr.rel @p0 .LBB2_1-.Ltmp5, $4  }
0xe2: {  	[sflag:s3] =	ssyncadd.s32 $0xFFFFC000  }
0xe3: {  	_ =	swait.ge [sflag:s3], $0x4000  }
0xe4: {  	[sflag:s3] =	ssyncset.done $0x0  }
0xe5: {  	[sflag:s3] =	ssyncadd.s32 $0xFFFFC000  }
0xe6: {  	_ =	sfence.sel $0x180000  }
0xe7: {  	[bflag:$0x0] =	sbarrier.arrive $0xFFFF  }
0xe8: {  	p0 =	sne.s32 s0, $0x0;
	_ =	strace $0x9000004A  }
0xe9: {  	s0 =	sadd.s32 @!p0 $0x100000, s1;
	[bflag:$0x2] =	sbarrier.arrive $0xFFFF  }
0xea: {  	[sflag:s0] =	ssyncadd.tile.s32 @!p0 $0x1;
	_ =	shalt  }
.Lfunc_end2:
_tile_overlayer_lowered:
.L_overlay_start_2:
0xeb: {  	(tag) =	ssettag $0x2  }
0xec: {  	s0 =	rddreg [dreg:$0x0];
	s2 =	stileid.u32  }
0xed: {  	s1 =	rddreg [dreg:$0x1];
	p0 =	sne.s32 s2, $0x0  }
0xee: {  	s3 =	rddreg [dreg:$0x2];
	[bflag:$0x3] =	sbarrier.arrive $0xFFFF;
	s2 =	simm.s32 @!p0 $0x1C02  }
0xef: {  	[timem:s3], [sflag:s2] =	dma.local @!p0 [hbm:s0], s1  }
0xf0: {  	s0 =	simm.s32 @!p0 $0x2  }
0xf1: {  	_ =	swait.ge @!p0 [sflag:s0], s1  }
0xf2: {  	s1 =	ssub.s32 @!p0 $0x0, s1;
	[sflag:s0] =	ssyncset.done @!p0 $0x0  }
0xf3: {  	[sflag:s0] =	ssyncadd.s32 @!p0 s1  }
0xf4: {  	[bflag:$0x3] =	sbarrier.arrive $0xFFFF  }
0xf5: {  	_ =	shalt  }

</sc_bundles>
